<compile_context>
chip_gen: v7x
topology: tpu7x:2x2x1
jax: 0.10.2.dev20260603
libtpu: 0.0.44.dev20260713+nightly
codegen_flags: <defaults>
</compile_context>

<pallas_src>
import functools

import jax
import jax.numpy as jnp
from jax import lax
from jax.experimental import pallas as pl
from jax.experimental.pallas import tpu as pltpu
from jax.experimental.pallas import tpu_sc as plsc

_NC, _NS = 2, 16
_NW = _NC * _NS


def _make_sc_gather(B, F, Fd, V):
    CH = 32768
    V128 = (V // 128) * 128
    n_full = V128 // CH
    tail_a = V128 - n_full * CH
    tail_b = V - V128
    mesh = plsc.VectorSubcoreMesh(
        core_axis_name="c", subcore_axis_name="s", num_cores=_NC)

    @functools.partial(
        pl.kernel,
        out_type=(
            jax.ShapeDtypeStruct((F, B), jnp.float32),
            jax.ShapeDtypeStruct((F, B), jnp.float32),
            jax.ShapeDtypeStruct((Fd, B), jnp.float32),
            jax.ShapeDtypeStruct((B,), jnp.float32),
        ),
        mesh=mesh,
        scratch_types=[
            pltpu.VMEM((B,), jnp.int32),
            pltpu.VMEM((B,), jnp.int32),
            pltpu.VMEM((V,), jnp.float32),
            pltpu.VMEM((B,), jnp.float32),
            pltpu.SemaphoreType.DMA,
        ],
        compiler_params=pltpu.CompilerParams(needs_layout_passes=False),
    )
    def gather_kernel(user_hbm, item_hbm, bi_hbm, gut_hbm, git_hbm,
                      tut_hbm, gu_tail_hbm, gi_tail_hbm, tu_tail_hbm,
                      gut_out, git_out, tut_out, beta_out,
                      uidx_v, iidx_v, slab_v, acc_v, sem):
        wid = lax.axis_index("s") * _NC + lax.axis_index("c")
        pltpu.sync_copy(user_hbm, uidx_v)
        pltpu.sync_copy(item_hbm, iidx_v)

        def stream_row(tab_hbm, tail_hbm, k):
            fired = []
            for c in range(n_full):
                fired.append(pltpu.async_copy(
                    tab_hbm.at[k, pl.ds(c * CH, CH)],
                    slab_v.at[pl.ds(c * CH, CH)], sem))
            if tail_a:
                fired.append(pltpu.async_copy(
                    tab_hbm.at[k, pl.ds(n_full * CH, tail_a)],
                    slab_v.at[pl.ds(n_full * CH, tail_a)], sem))
            if tail_b:
                fired.append(pltpu.async_copy(
                    tail_hbm.at[pl.ds(k * tail_b, tail_b)],
                    slab_v.at[pl.ds(V128, tail_b)], sem))
            for c in fired:
                c.wait()

        def gather_row(idx_ref, out_hbm, k):
            def step(v, _):
                ivec = idx_ref[pl.ds(v * 16, 16)]
                acc_v[pl.ds(v * 16, 16)] = plsc.load_gather(
                    slab_v, [ivec])
                return 0

            lax.fori_loop(0, B // 16, step, 0)
            pltpu.sync_copy(acc_v, out_hbm.at[k, pl.ds(0, B)])

        for jj in range(2):
            k = wid * 2 + jj
            stream_row(gut_hbm, gu_tail_hbm, k)
            gather_row(uidx_v, gut_out, k)
        for jj in range(2):
            k = wid * 2 + jj
            stream_row(git_hbm, gi_tail_hbm, k)
            gather_row(iidx_v, git_out, k)
        stream_row(tut_hbm, tu_tail_hbm, wid)
        gather_row(uidx_v, tut_out, wid)

        nbw = 8
        bslice = B // nbw

        @pl.when(wid >= _NW - nbw)
        def _():
            fired = []
            for c in range(n_full):
                fired.append(pltpu.async_copy(
                    bi_hbm.at[pl.ds(c * CH, CH)],
                    slab_v.at[pl.ds(c * CH, CH)], sem))
            rest = V - n_full * CH
            fired.append(pltpu.async_copy(
                bi_hbm.at[pl.ds(n_full * CH, rest)],
                slab_v.at[pl.ds(n_full * CH, rest)], sem))
            for c in fired:
                c.wait()
            q = wid - (_NW - nbw)
            base = q * bslice

            def bstep(v, _):
                ivec = iidx_v[pl.ds(base + v * 16, 16)]
                acc_v[pl.ds(v * 16, 16)] = plsc.load_gather(
                    slab_v, [ivec])
                return 0

            lax.fori_loop(0, bslice // 16, bstep, 0)
            pltpu.sync_copy(acc_v.at[pl.ds(0, bslice)],
                            beta_out.at[pl.ds(base, bslice)])

    return gather_kernel


def _make_tc_matmul(B, K, N, blk):
    def body(feat_ref, ew_ref, r_ref, fcopy_ref):
        r_ref[...] = jnp.dot(feat_ref[...], ew_ref[...],
                             preferred_element_type=jnp.float32)
        fcopy_ref[...] = feat_ref[...]

    return pl.pallas_call(
        body,
        grid=(B // blk,),
        in_specs=[
            pl.BlockSpec((blk, K), lambda b: (b, 0)),
            pl.BlockSpec((K, N), lambda b: (0, 0)),
        ],
        out_specs=[
            pl.BlockSpec((blk, N), lambda b: (b, 0)),
            pl.BlockSpec((blk, K), lambda b: (b, 0)),
        ],
        out_shape=[
            jax.ShapeDtypeStruct((B, N), jnp.float32),
            jax.ShapeDtypeStruct((B, K), jnp.float32),
        ],
        compiler_params=pltpu.CompilerParams(
            dimension_semantics=("arbitrary",)),
    )


def _make_tc_combine(B, F, Fd, N, blk):
    def body(r_ref, gut_ref, git_ref, tut_ref, beta_ref, xui_ref):
        tu = jnp.transpose(tut_ref[...])
        r = r_ref[...]
        xui_ref[...] = (beta_ref[...]
                        + jnp.sum(gut_ref[...] * git_ref[...], axis=0)
                        + jnp.sum(tu * r[:, :Fd], axis=1)
                        + r[:, Fd])

    return pl.pallas_call(
        body,
        grid=(B // blk,),
        in_specs=[
            pl.BlockSpec((blk, N), lambda b: (b, 0)),
            pl.BlockSpec((F, blk), lambda b: (0, b)),
            pl.BlockSpec((F, blk), lambda b: (0, b)),
            pl.BlockSpec((Fd, blk), lambda b: (0, b)),
            pl.BlockSpec((blk,), lambda b: (b,)),
        ],
        out_specs=pl.BlockSpec((blk,), lambda b: (b,)),
        out_shape=jax.ShapeDtypeStruct((B,), jnp.float32),
        compiler_params=pltpu.CompilerParams(
            dimension_semantics=("arbitrary",)),
    )


def kernel(user, item, feature_i, Bi, Gu, Gi, Bp, Tu, E):
    B = user.shape[0]
    K, Fd = E.shape
    V, F = Gu.shape
    N = 64

    V128 = (V // 128) * 128
    gut, git, tut, beta_i = _make_sc_gather(B, F, Fd, V)(
        user, item, Bi, Gu.T, Gi.T, Tu.T,
        Gu.T[:, V128:].reshape(-1), Gi.T[:, V128:].reshape(-1),
        Tu.T[:, V128:].reshape(-1))

    Ew = jnp.concatenate(
        [E, Bp, jnp.zeros((K, N - Fd - 1), jnp.float32)], axis=1)
    r, feat_out = _make_tc_matmul(B, K, N, 1024)(feature_i, Ew)

    xui = _make_tc_combine(B, F, Fd, N, 1024)(r, gut, git, tut, beta_i)

    return (xui, gut.T, git.T, feat_out, tut.T, beta_i)

# --- scband reference (transcript-rebuilt; emitter-appended) ---
"""Pipeline reference for scband-amr-model-24464133718079 (READ-ONLY COPY).

The authoritative reference and input builder live on the scoring server;
editing this copy changes nothing except your own understanding.
"""

import jax, jax.numpy as jnp
import numpy as np

FACTORS = 64
FACTORS_D = 32
NUM_IMG_FEAT = 2048
NUM_USERS = 100000
NUM_ITEMS = 100000
BATCH = 4096


def _glorot(key, shape):
    fan_in, fan_out = shape[0], shape[1] if len(shape) > 1 else 1
    limit = np.sqrt(6.0 / (fan_in + fan_out))
    return jax.random.uniform(key, shape, dtype=jnp.float32, minval=-limit, maxval=limit)


def setup_inputs(seed: int = 0) -> dict:
    key = jax.random.key(seed)
    k_user, k_item, k_feat, k_gu, k_gi, k_bp, k_tu, k_e = jax.random.split(key, 8)
    user = jax.random.randint(k_user, (BATCH,), 0, NUM_USERS, dtype=jnp.int64 if jax.config.jax_enable_x64 else jnp.int32).astype(jnp.int32)
    item = jax.random.randint(k_item, (BATCH,), 0, NUM_ITEMS, dtype=jnp.int64 if jax.config.jax_enable_x64 else jnp.int32).astype(jnp.int32)
    feature_i = jax.random.normal(k_feat, (BATCH, NUM_IMG_FEAT), dtype=jnp.float32)
    Bi = jnp.zeros((NUM_ITEMS,), dtype=jnp.float32)
    Gu = _glorot(k_gu, (NUM_USERS, FACTORS))
    Gi = _glorot(k_gi, (NUM_ITEMS, FACTORS))
    Bp = _glorot(k_bp, (NUM_IMG_FEAT, 1))
    Tu = _glorot(k_tu, (NUM_USERS, FACTORS_D))
    E = _glorot(k_e, (NUM_IMG_FEAT, FACTORS_D))
    return {"user": user, "item": item, "feature_i": feature_i, "Bi": Bi, "Gu": Gu, "Gi": Gi, "Bp": Bp, "Tu": Tu, "E": E}


def reference(user, item, feature_i, Bi, Gu, Gi, Bp, Tu, E):
    # Faithful translation of AMR_model.call with adversarial=False
    beta_i = jnp.take(Bi, item, axis=0)                  # [B]
    gamma_u = jnp.take(Gu, user, axis=0)                 # [B, factors]
    theta_u = jnp.take(Tu, user, axis=0)                 # [B, factors_d]
    gamma_i = jnp.take(Gi, item, axis=0)                 # [B, factors]
    xui = (beta_i
           + jnp.sum(gamma_u * gamma_i, axis=1)
           + jnp.sum(theta_u * jnp.matmul(feature_i, E), axis=1)
           + jnp.squeeze(jnp.matmul(feature_i, Bp), axis=-1))
    return (xui, gamma_u, gamma_i, feature_i, theta_u, beta_i)

if __name__ == "__main__":
    import jax
    _d = setup_inputs()
    print(jax.jit(kernel)(*tuple(_d.values())))

</pallas_src>

<mosaic_0001>
#map = affine_map<(d0, d1) -> (0)>
#map1 = affine_map<(d0, d1) -> (0, 0)>
module attributes {stable_mosaic.version = 14 : i64} {
  func.func @gather_kernel(%arg0: i32, %arg1: i32, %arg2: memref<4096xi32, #tpu.memory_space<hbm>>, %arg3: memref<4096xi32, #tpu.memory_space<hbm>>, %arg4: memref<100000xf32, #tpu.memory_space<hbm>>, %arg5: memref<64x100000xf32, #tpu.memory_space<hbm>>, %arg6: memref<64x100000xf32, #tpu.memory_space<hbm>>, %arg7: memref<32x100000xf32, #tpu.memory_space<hbm>>, %arg8: memref<2048xf32, #tpu.memory_space<hbm>>, %arg9: memref<2048xf32, #tpu.memory_space<hbm>>, %arg10: memref<1024xf32, #tpu.memory_space<hbm>>, %arg11: memref<64x4096xf32, #tpu.memory_space<hbm>>, %arg12: memref<64x4096xf32, #tpu.memory_space<hbm>>, %arg13: memref<32x4096xf32, #tpu.memory_space<hbm>>, %arg14: memref<4096xf32, #tpu.memory_space<hbm>>, %arg15: memref<4096xi32, #tpu.memory_space<vmem>>, %arg16: memref<4096xi32, #tpu.memory_space<vmem>>, %arg17: memref<100000xf32, #tpu.memory_space<vmem>>, %arg18: memref<4096xf32, #tpu.memory_space<vmem>>, %arg19: memref<!tpu.dma_semaphore, #tpu.memory_space<semaphore_mem>>) attributes {dimension_semantics = [#tpu.dimension_semantics<core_parallel>, #tpu.dimension_semantics<subcore_parallel>], iteration_bounds = array<i64: 2, 16>, scalar_prefetch = 0 : i64, scratch_operands = 5 : i64, tpu.core_type = #tpu.core_type<sc_vector_subcore>, window_params = [{transform_indices = #map}, {transform_indices = #map}, {transform_indices = #map}, {transform_indices = #map1}, {transform_indices = #map1}, {transform_indices = #map1}, {transform_indices = #map}, {transform_indices = #map}, {transform_indices = #map}, {transform_indices = #map1}, {transform_indices = #map1}, {transform_indices = #map1}, {transform_indices = #map}]} {
    %mul3A = arith.constant 2 : i32
    %mul3A_0 = arith.muli %arg1, %mul3A : i32
    %add3A = arith.addi %mul3A_0, %arg0 : i32
    "tpu.region"() ({
      %run_scoped3A = tpu.sem_alloc : memref<!tpu.dma_semaphore, #tpu.memory_space<semaphore_mem>>
      tpu.enqueue_dma source(%arg2 : memref<4096xi32, #tpu.memory_space<hbm>>) target(%arg15 : memref<4096xi32, #tpu.memory_space<vmem>>) target_semaphore(%run_scoped3A : memref<!tpu.dma_semaphore, #tpu.memory_space<semaphore_mem>>)
      tpu.wait_dma2 semaphore(%run_scoped3A : memref<!tpu.dma_semaphore, #tpu.memory_space<semaphore_mem>>) src(%arg2 : memref<4096xi32, #tpu.memory_space<hbm>>) dst(%arg15 : memref<4096xi32, #tpu.memory_space<vmem>>)
      tpu.yield
    }) : () -> ()
    "tpu.region"() ({
      %run_scoped3A = tpu.sem_alloc : memref<!tpu.dma_semaphore, #tpu.memory_space<semaphore_mem>>
      tpu.enqueue_dma source(%arg3 : memref<4096xi32, #tpu.memory_space<hbm>>) target(%arg16 : memref<4096xi32, #tpu.memory_space<vmem>>) target_semaphore(%run_scoped3A : memref<!tpu.dma_semaphore, #tpu.memory_space<semaphore_mem>>)
      tpu.wait_dma2 semaphore(%run_scoped3A : memref<!tpu.dma_semaphore, #tpu.memory_space<semaphore_mem>>) src(%arg3 : memref<4096xi32, #tpu.memory_space<hbm>>) dst(%arg16 : memref<4096xi32, #tpu.memory_space<vmem>>)
      tpu.yield
    }) : () -> ()
    %mul3A_1 = arith.constant 2 : i32
    %mul3A_2 = arith.muli %add3A, %mul3A_1 : i32
    %add3A_3 = arith.constant 0 : i32
    %add3A_4 = arith.addi %mul3A_2, %add3A_3 : i32
    %dma_start3A = arith.constant 0 : i32
    %dma_start3A_5 = tpu.memref_slice %arg17[%dma_start3A] : memref<100000xf32, #tpu.memory_space<vmem>> -> memref<32768xf32, #tpu.memory_space<vmem>>
    %dma_start3A_6 = arith.constant 0 : i32
    %dma_start3A_7 = tpu.memref_slice %arg5[%add3A_4, %dma_start3A_6] : memref<64x100000xf32, #tpu.memory_space<hbm>> -> memref<1x32768xf32, #tpu.memory_space<hbm>>
    %dma_start3A_8 = tpu.memref_squeeze %dma_start3A_7 : memref<1x32768xf32, #tpu.memory_space<hbm>> -> memref<32768xf32, #tpu.memory_space<hbm>>
    %dma_start3A_9 = arith.constant 0 : i32
    %dma_start3A_10 = tpu.memref_slice %arg17[%dma_start3A_9] : memref<100000xf32, #tpu.memory_space<vmem>> -> memref<32768xf32, #tpu.memory_space<vmem>>
    %dma_start3A_11 = arith.constant 0 : i32
    %dma_start3A_12 = tpu.memref_slice %arg5[%add3A_4, %dma_start3A_11] : memref<64x100000xf32, #tpu.memory_space<hbm>> -> memref<1x32768xf32, #tpu.memory_space<hbm>>
    %dma_start3A_13 = tpu.memref_squeeze %dma_start3A_12 : memref<1x32768xf32, #tpu.memory_space<hbm>> -> memref<32768xf32, #tpu.memory_space<hbm>>
    tpu.enqueue_dma source(%dma_start3A_13 : memref<32768xf32, #tpu.memory_space<hbm>>) target(%dma_start3A_10 : memref<32768xf32, #tpu.memory_space<vmem>>) target_semaphore(%arg19 : memref<!tpu.dma_semaphore, #tpu.memory_space<semaphore_mem>>)
    %dma_start3A_14 = arith.constant 32768 : i32
    %dma_start3A_15 = tpu.memref_slice %arg17[%dma_start3A_14] : memref<100000xf32, #tpu.memory_space<vmem>> -> memref<32768xf32, #tpu.memory_space<vmem>>
    %dma_start3A_16 = arith.constant 32768 : i32
    %dma_start3A_17 = tpu.memref_slice %arg5[%add3A_4, %dma_start3A_16] : memref<64x100000xf32, #tpu.memory_space<hbm>> -> memref<1x32768xf32, #tpu.memory_space<hbm>>
    %dma_start3A_18 = tpu.memref_squeeze %dma_start3A_17 : memref<1x32768xf32, #tpu.memory_space<hbm>> -> memref<32768xf32, #tpu.memory_space<hbm>>
    %dma_start3A_19 = arith.constant 32768 : i32
    %dma_start3A_20 = tpu.memref_slice %arg17[%dma_start3A_19] : memref<100000xf32, #tpu.memory_space<vmem>> -> memref<32768xf32, #tpu.memory_space<vmem>>
    %dma_start3A_21 = arith.constant 32768 : i32
    %dma_start3A_22 = tpu.memref_slice %arg5[%add3A_4, %dma_start3A_21] : memref<64x100000xf32, #tpu.memory_space<hbm>> -> memref<1x32768xf32, #tpu.memory_space<hbm>>
    %dma_start3A_23 = tpu.memref_squeeze %dma_start3A_22 : memref<1x32768xf32, #tpu.memory_space<hbm>> -> memref<32768xf32, #tpu.memory_space<hbm>>
    tpu.enqueue_dma source(%dma_start3A_23 : memref<32768xf32, #tpu.memory_space<hbm>>) target(%dma_start3A_20 : memref<32768xf32, #tpu.memory_space<vmem>>) target_semaphore(%arg19 : memref<!tpu.dma_semaphore, #tpu.memory_space<semaphore_mem>>)
    %dma_start3A_24 = arith.constant 65536 : i32
    %dma_start3A_25 = tpu.memref_slice %arg17[%dma_start3A_24] : memref<100000xf32, #tpu.memory_space<vmem>> -> memref<32768xf32, #tpu.memory_space<vmem>>
    %dma_start3A_26 = arith.constant 65536 : i32
    %dma_start3A_27 = tpu.memref_slice %arg5[%add3A_4, %dma_start3A_26] : memref<64x100000xf32, #tpu.memory_space<hbm>> -> memref<1x32768xf32, #tpu.memory_space<hbm>>
    %dma_start3A_28 = tpu.memref_squeeze %dma_start3A_27 : memref<1x32768xf32, #tpu.memory_space<hbm>> -> memref<32768xf32, #tpu.memory_space<hbm>>
    %dma_start3A_29 = arith.constant 65536 : i32
    %dma_start3A_30 = tpu.memref_slice %arg17[%dma_start3A_29] : memref<100000xf32, #tpu.memory_space<vmem>> -> memref<32768xf32, #tpu.memory_space<vmem>>
    %dma_start3A_31 = arith.constant 65536 : i32
    %dma_start3A_32 = tpu.memref_slice %arg5[%add3A_4, %dma_start3A_31] : memref<64x100000xf32, #tpu.memory_space<hbm>> -> memref<1x32768xf32, #tpu.memory_space<hbm>>
    %dma_start3A_33 = tpu.memref_squeeze %dma_start3A_32 : memref<1x32768xf32, #tpu.memory_space<hbm>> -> memref<32768xf32, #tpu.memory_space<hbm>>
    tpu.enqueue_dma source(%dma_start3A_33 : memref<32768xf32, #tpu.memory_space<hbm>>) target(%dma_start3A_30 : memref<32768xf32, #tpu.memory_space<vmem>>) target_semaphore(%arg19 : memref<!tpu.dma_semaphore, #tpu.memory_space<semaphore_mem>>)
    %dma_start3A_34 = arith.constant 98304 : i32
    %dma_start3A_35 = tpu.memref_slice %arg17[%dma_start3A_34] : memref<100000xf32, #tpu.memory_space<vmem>> -> memref<1664xf32, #tpu.memory_space<vmem>>
    %dma_start3A_36 = arith.constant 98304 : i32
    %dma_start3A_37 = tpu.memref_slice %arg5[%add3A_4, %dma_start3A_36] : memref<64x100000xf32, #tpu.memory_space<hbm>> -> memref<1x1664xf32, #tpu.memory_space<hbm>>
    %dma_start3A_38 = tpu.memref_squeeze %dma_start3A_37 : memref<1x1664xf32, #tpu.memory_space<hbm>> -> memref<1664xf32, #tpu.memory_space<hbm>>
    %dma_start3A_39 = arith.constant 98304 : i32
    %dma_start3A_40 = tpu.memref_slice %arg17[%dma_start3A_39] : memref<100000xf32, #tpu.memory_space<vmem>> -> memref<1664xf32, #tpu.memory_space<vmem>>
    %dma_start3A_41 = arith.constant 98304 : i32
    %dma_start3A_42 = tpu.memref_slice %arg5[%add3A_4, %dma_start3A_41] : memref<64x100000xf32, #tpu.memory_space<hbm>> -> memref<1x1664xf32, #tpu.memory_space<hbm>>
    %dma_start3A_43 = tpu.memref_squeeze %dma_start3A_42 : memref<1x1664xf32, #tpu.memory_space<hbm>> -> memref<1664xf32, #tpu.memory_space<hbm>>
    tpu.enqueue_dma source(%dma_start3A_43 : memref<1664xf32, #tpu.memory_space<hbm>>) target(%dma_start3A_40 : memref<1664xf32, #tpu.memory_space<vmem>>) target_semaphore(%arg19 : memref<!tpu.dma_semaphore, #tpu.memory_space<semaphore_mem>>)
    %mul3A_44 = arith.constant 32 : i32
    %mul3A_45 = arith.muli %add3A_4, %mul3A_44 : i32
    %dma_start3A_46 = arith.constant 99968 : i32
    %dma_start3A_47 = tpu.memref_slice %arg17[%dma_start3A_46] : memref<100000xf32, #tpu.memory_space<vmem>> -> memref<32xf32, #tpu.memory_space<vmem>>
    %dma_start3A_48 = tpu.memref_slice %arg8[%mul3A_45] : memref<2048xf32, #tpu.memory_space<hbm>> -> memref<32xf32, #tpu.memory_space<hbm>>
    %dma_start3A_49 = arith.constant 99968 : i32
    %dma_start3A_50 = tpu.memref_slice %arg17[%dma_start3A_49] : memref<100000xf32, #tpu.memory_space<vmem>> -> memref<32xf32, #tpu.memory_space<vmem>>
    %dma_start3A_51 = tpu.memref_slice %arg8[%mul3A_45] : memref<2048xf32, #tpu.memory_space<hbm>> -> memref<32xf32, #tpu.memory_space<hbm>>
    tpu.enqueue_dma source(%dma_start3A_51 : memref<32xf32, #tpu.memory_space<hbm>>) target(%dma_start3A_50 : memref<32xf32, #tpu.memory_space<vmem>>) target_semaphore(%arg19 : memref<!tpu.dma_semaphore, #tpu.memory_space<semaphore_mem>>)
    %dma_wait3A = arith.constant 0 : i32
    %dma_wait3A_52 = tpu.memref_slice %arg17[%dma_wait3A] : memref<100000xf32, #tpu.memory_space<vmem>> -> memref<32768xf32, #tpu.memory_space<vmem>>
    %dma_wait3A_53 = arith.constant 0 : i32
    %dma_wait3A_54 = tpu.memref_slice %arg5[%add3A_4, %dma_wait3A_53] : memref<64x100000xf32, #tpu.memory_space<hbm>> -> memref<1x32768xf32, #tpu.memory_space<hbm>>
    %dma_wait3A_55 = tpu.memref_squeeze %dma_wait3A_54 : memref<1x32768xf32, #tpu.memory_space<hbm>> -> memref<32768xf32, #tpu.memory_space<hbm>>
    %dma_wait3A_56 = arith.constant 0 : i32
    %dma_wait3A_57 = tpu.memref_slice %arg17[%dma_wait3A_56] : memref<100000xf32, #tpu.memory_space<vmem>> -> memref<32768xf32, #tpu.memory_space<vmem>>
    %dma_wait3A_58 = arith.constant 0 : i32
    %dma_wait3A_59 = tpu.memref_slice %arg5[%add3A_4, %dma_wait3A_58] : memref<64x100000xf32, #tpu.memory_space<hbm>> -> memref<1x32768xf32, #tpu.memory_space<hbm>>
    %dma_wait3A_60 = tpu.memref_squeeze %dma_wait3A_59 : memref<1x32768xf32, #tpu.memory_space<hbm>> -> memref<32768xf32, #tpu.memory_space<hbm>>
    tpu.wait_dma2 semaphore(%arg19 : memref<!tpu.dma_semaphore, #tpu.memory_space<semaphore_mem>>) src(%dma_wait3A_60 : memref<32768xf32, #tpu.memory_space<hbm>>) dst(%dma_wait3A_57 : memref<32768xf32, #tpu.memory_space<vmem>>)
    %dma_wait3A_61 = arith.constant 32768 : i32
    %dma_wait3A_62 = tpu.memref_slice %arg17[%dma_wait3A_61] : memref<100000xf32, #tpu.memory_space<vmem>> -> memref<32768xf32, #tpu.memory_space<vmem>>
    %dma_wait3A_63 = arith.constant 32768 : i32
    %dma_wait3A_64 = tpu.memref_slice %arg5[%add3A_4, %dma_wait3A_63] : memref<64x100000xf32, #tpu.memory_space<hbm>> -> memref<1x32768xf32, #tpu.memory_space<hbm>>
    %dma_wait3A_65 = tpu.memref_squeeze %dma_wait3A_64 : memref<1x32768xf32, #tpu.memory_space<hbm>> -> memref<32768xf32, #tpu.memory_space<hbm>>
    %dma_wait3A_66 = arith.constant 32768 : i32
    %dma_wait3A_67 = tpu.memref_slice %arg17[%dma_wait3A_66] : memref<100000xf32, #tpu.memory_space<vmem>> -> memref<32768xf32, #tpu.memory_space<vmem>>
    %dma_wait3A_68 = arith.constant 32768 : i32
    %dma_wait3A_69 = tpu.memref_slice %arg5[%add3A_4, %dma_wait3A_68] : memref<64x100000xf32, #tpu.memory_space<hbm>> -> memref<1x32768xf32, #tpu.memory_space<hbm>>
    %dma_wait3A_70 = tpu.memref_squeeze %dma_wait3A_69 : memref<1x32768xf32, #tpu.memory_space<hbm>> -> memref<32768xf32, #tpu.memory_space<hbm>>
    tpu.wait_dma2 semaphore(%arg19 : memref<!tpu.dma_semaphore, #tpu.memory_space<semaphore_mem>>) src(%dma_wait3A_70 : memref<32768xf32, #tpu.memory_space<hbm>>) dst(%dma_wait3A_67 : memref<32768xf32, #tpu.memory_space<vmem>>)
    %dma_wait3A_71 = arith.constant 65536 : i32
    %dma_wait3A_72 = tpu.memref_slice %arg17[%dma_wait3A_71] : memref<100000xf32, #tpu.memory_space<vmem>> -> memref<32768xf32, #tpu.memory_space<vmem>>
    %dma_wait3A_73 = arith.constant 65536 : i32
    %dma_wait3A_74 = tpu.memref_slice %arg5[%add3A_4, %dma_wait3A_73] : memref<64x100000xf32, #tpu.memory_space<hbm>> -> memref<1x32768xf32, #tpu.memory_space<hbm>>
    %dma_wait3A_75 = tpu.memref_squeeze %dma_wait3A_74 : memref<1x32768xf32, #tpu.memory_space<hbm>> -> memref<32768xf32, #tpu.memory_space<hbm>>
    %dma_wait3A_76 = arith.constant 65536 : i32
    %dma_wait3A_77 = tpu.memref_slice %arg17[%dma_wait3A_76] : memref<100000xf32, #tpu.memory_space<vmem>> -> memref<32768xf32, #tpu.memory_space<vmem>>
    %dma_wait3A_78 = arith.constant 65536 : i32
    %dma_wait3A_79 = tpu.memref_slice %arg5[%add3A_4, %dma_wait3A_78] : memref<64x100000xf32, #tpu.memory_space<hbm>> -> memref<1x32768xf32, #tpu.memory_space<hbm>>
    %dma_wait3A_80 = tpu.memref_squeeze %dma_wait3A_79 : memref<1x32768xf32, #tpu.memory_space<hbm>> -> memref<32768xf32, #tpu.memory_space<hbm>>
    tpu.wait_dma2 semaphore(%arg19 : memref<!tpu.dma_semaphore, #tpu.memory_space<semaphore_mem>>) src(%dma_wait3A_80 : memref<32768xf32, #tpu.memory_space<hbm>>) dst(%dma_wait3A_77 : memref<32768xf32, #tpu.memory_space<vmem>>)
    %dma_wait3A_81 = arith.constant 98304 : i32
    %dma_wait3A_82 = tpu.memref_slice %arg17[%dma_wait3A_81] : memref<100000xf32, #tpu.memory_space<vmem>> -> memref<1664xf32, #tpu.memory_space<vmem>>
    %dma_wait3A_83 = arith.constant 98304 : i32
    %dma_wait3A_84 = tpu.memref_slice %arg5[%add3A_4, %dma_wait3A_83] : memref<64x100000xf32, #tpu.memory_space<hbm>> -> memref<1x1664xf32, #tpu.memory_space<hbm>>
    %dma_wait3A_85 = tpu.memref_squeeze %dma_wait3A_84 : memref<1x1664xf32, #tpu.memory_space<hbm>> -> memref<1664xf32, #tpu.memory_space<hbm>>
    %dma_wait3A_86 = arith.constant 98304 : i32
    %dma_wait3A_87 = tpu.memref_slice %arg17[%dma_wait3A_86] : memref<100000xf32, #tpu.memory_space<vmem>> -> memref<1664xf32, #tpu.memory_space<vmem>>
    %dma_wait3A_88 = arith.constant 98304 : i32
    %dma_wait3A_89 = tpu.memref_slice %arg5[%add3A_4, %dma_wait3A_88] : memref<64x100000xf32, #tpu.memory_space<hbm>> -> memref<1x1664xf32, #tpu.memory_space<hbm>>
    %dma_wait3A_90 = tpu.memref_squeeze %dma_wait3A_89 : memref<1x1664xf32, #tpu.memory_space<hbm>> -> memref<1664xf32, #tpu.memory_space<hbm>>
    tpu.wait_dma2 semaphore(%arg19 : memref<!tpu.dma_semaphore, #tpu.memory_space<semaphore_mem>>) src(%dma_wait3A_90 : memref<1664xf32, #tpu.memory_space<hbm>>) dst(%dma_wait3A_87 : memref<1664xf32, #tpu.memory_space<vmem>>)
    %dma_wait3A_91 = arith.constant 99968 : i32
    %dma_wait3A_92 = tpu.memref_slice %arg17[%dma_wait3A_91] : memref<100000xf32, #tpu.memory_space<vmem>> -> memref<32xf32, #tpu.memory_space<vmem>>
    %dma_wait3A_93 = tpu.memref_slice %arg8[%mul3A_45] : memref<2048xf32, #tpu.memory_space<hbm>> -> memref<32xf32, #tpu.memory_space<hbm>>
    %dma_wait3A_94 = arith.constant 99968 : i32
    %dma_wait3A_95 = tpu.memref_slice %arg17[%dma_wait3A_94] : memref<100000xf32, #tpu.memory_space<vmem>> -> memref<32xf32, #tpu.memory_space<vmem>>
    %dma_wait3A_96 = tpu.memref_slice %arg8[%mul3A_45] : memref<2048xf32, #tpu.memory_space<hbm>> -> memref<32xf32, #tpu.memory_space<hbm>>
    tpu.wait_dma2 semaphore(%arg19 : memref<!tpu.dma_semaphore, #tpu.memory_space<semaphore_mem>>) src(%dma_wait3A_96 : memref<32xf32, #tpu.memory_space<hbm>>) dst(%dma_wait3A_95 : memref<32xf32, #tpu.memory_space<vmem>>)
    %scan3A = arith.constant 0 : i32
    %scan3A_97 = arith.constant 0 : i32
    %scan3A_98 = arith.constant 256 : i32
    %scan3A_99 = arith.addi %scan3A_97, %scan3A_98 : i32
    %scan3A_100 = arith.constant 1 : i32
    %scan3A_101 = scf.for %scan3A_521 = %scan3A_97 to %scan3A_99 step %scan3A_100 iter_args(%scan3A_522 = %scan3A) -> (i32)  : i32 {
      %mul3A_523 = arith.constant 16 : i32
      %mul3A_524 = arith.muli %scan3A_521, %mul3A_523 : i32
      %get3A = arith.index_cast %mul3A_524 : i32 to index
      %get3A_525 = tpu.vector_load %arg15[%get3A] {strides = array<i32>} : memref<4096xi32, #tpu.memory_space<vmem>>, vector<16xi32>,
      %gather3A = tpu.vector_load_idx %arg17[%get3A_525] : memref<100000xf32, #tpu.memory_space<vmem>>[vector<16xi32>], vector<16xf32>,
      %mul3A_526 = arith.constant 16 : i32
      %mul3A_527 = arith.muli %scan3A_521, %mul3A_526 : i32
      %swap3A = arith.index_cast %mul3A_527 : i32 to index
      %swap3A_528 = tpu.vector_load %arg18[%swap3A] {strides = array<i32>} : memref<4096xf32, #tpu.memory_space<vmem>>, vector<16xf32>,
      tpu.vector_store %arg18[%swap3A], %gather3A {strides = array<i32>} : memref<4096xf32, #tpu.memory_space<vmem>>, vector<16xf32>,
      %scan3A_529 = arith.constant 0 : i32
      scf.yield %scan3A_529 : i32
    }
    %scan3A_102 = arith.constant 256 : i32
    "tpu.region"() ({
      %run_scoped3A = tpu.sem_alloc : memref<!tpu.dma_semaphore, #tpu.memory_space<semaphore_mem>>
      %dma_start3A_521 = arith.constant 0 : i32
      %dma_start3A_522 = tpu.memref_slice %arg11[%add3A_4, %dma_start3A_521] : memref<64x4096xf32, #tpu.memory_space<hbm>> -> memref<1x4096xf32, #tpu.memory_space<hbm>>
      %dma_start3A_523 = tpu.memref_squeeze %dma_start3A_522 : memref<1x4096xf32, #tpu.memory_space<hbm>> -> memref<4096xf32, #tpu.memory_space<hbm>>
      %dma_start3A_524 = arith.constant 0 : i32
      %dma_start3A_525 = tpu.memref_slice %arg11[%add3A_4, %dma_start3A_524] : memref<64x4096xf32, #tpu.memory_space<hbm>> -> memref<1x4096xf32, #tpu.memory_space<hbm>>
      %dma_start3A_526 = tpu.memref_squeeze %dma_start3A_525 : memref<1x4096xf32, #tpu.memory_space<hbm>> -> memref<4096xf32, #tpu.memory_space<hbm>>
      tpu.enqueue_dma source(%arg18 : memref<4096xf32, #tpu.memory_space<vmem>>) target(%dma_start3A_526 : memref<4096xf32, #tpu.memory_space<hbm>>) target_semaphore(%run_scoped3A : memref<!tpu.dma_semaphore, #tpu.memory_space<semaphore_mem>>)
      %dma_wait3A_527 = arith.constant 0 : i32
      %dma_wait3A_528 = tpu.memref_slice %arg11[%add3A_4, %dma_wait3A_527] : memref<64x4096xf32, #tpu.memory_space<hbm>> -> memref<1x4096xf32, #tpu.memory_space<hbm>>
      %dma_wait3A_529 = tpu.memref_squeeze %dma_wait3A_528 : memref<1x4096xf32, #tpu.memory_space<hbm>> -> memref<4096xf32, #tpu.memory_space<hbm>>
      %dma_wait3A_530 = arith.constant 0 : i32
      %dma_wait3A_531 = tpu.memref_slice %arg11[%add3A_4, %dma_wait3A_530] : memref<64x4096xf32, #tpu.memory_space<hbm>> -> memref<1x4096xf32, #tpu.memory_space<hbm>>
      %dma_wait3A_532 = tpu.memref_squeeze %dma_wait3A_531 : memref<1x4096xf32, #tpu.memory_space<hbm>> -> memref<4096xf32, #tpu.memory_space<hbm>>
      tpu.wait_dma2 semaphore(%run_scoped3A : memref<!tpu.dma_semaphore, #tpu.memory_space<semaphore_mem>>) src(%arg18 : memref<4096xf32, #tpu.memory_space<vmem>>) dst(%dma_wait3A_532 : memref<4096xf32, #tpu.memory_space<hbm>>)
      tpu.yield
    }) : () -> ()
    %mul3A_103 = arith.constant 2 : i32
    %mul3A_104 = arith.muli %add3A, %mul3A_103 : i32
    %add3A_105 = arith.constant 1 : i32
    %add3A_106 = arith.addi %mul3A_104, %add3A_105 : i32
    %dma_start3A_107 = arith.constant 0 : i32
    %dma_start3A_108 = tpu.memref_slice %arg17[%dma_start3A_107] : memref<100000xf32, #tpu.memory_space<vmem>> -> memref<32768xf32, #tpu.memory_space<vmem>>
    %dma_start3A_109 = arith.constant 0 : i32
    %dma_start3A_110 = tpu.memref_slice %arg5[%add3A_106, %dma_start3A_109] : memref<64x100000xf32, #tpu.memory_space<hbm>> -> memref<1x32768xf32, #tpu.memory_space<hbm>>
    %dma_start3A_111 = tpu.memref_squeeze %dma_start3A_110 : memref<1x32768xf32, #tpu.memory_space<hbm>> -> memref<32768xf32, #tpu.memory_space<hbm>>
    %dma_start3A_112 = arith.constant 0 : i32
    %dma_start3A_113 = tpu.memref_slice %arg17[%dma_start3A_112] : memref<100000xf32, #tpu.memory_space<vmem>> -> memref<32768xf32, #tpu.memory_space<vmem>>
    %dma_start3A_114 = arith.constant 0 : i32
    %dma_start3A_115 = tpu.memref_slice %arg5[%add3A_106, %dma_start3A_114] : memref<64x100000xf32, #tpu.memory_space<hbm>> -> memref<1x32768xf32, #tpu.memory_space<hbm>>
    %dma_start3A_116 = tpu.memref_squeeze %dma_start3A_115 : memref<1x32768xf32, #tpu.memory_space<hbm>> -> memref<32768xf32, #tpu.memory_space<hbm>>
    tpu.enqueue_dma source(%dma_start3A_116 : memref<32768xf32, #tpu.memory_space<hbm>>) target(%dma_start3A_113 : memref<32768xf32, #tpu.memory_space<vmem>>) target_semaphore(%arg19 : memref<!tpu.dma_semaphore, #tpu.memory_space<semaphore_mem>>)
    %dma_start3A_117 = arith.constant 32768 : i32
    %dma_start3A_118 = tpu.memref_slice %arg17[%dma_start3A_117] : memref<100000xf32, #tpu.memory_space<vmem>> -> memref<32768xf32, #tpu.memory_space<vmem>>
    %dma_start3A_119 = arith.constant 32768 : i32
    %dma_start3A_120 = tpu.memref_slice %arg5[%add3A_106, %dma_start3A_119] : memref<64x100000xf32, #tpu.memory_space<hbm>> -> memref<1x32768xf32, #tpu.memory_space<hbm>>
    %dma_start3A_121 = tpu.memref_squeeze %dma_start3A_120 : memref<1x32768xf32, #tpu.memory_space<hbm>> -> memref<32768xf32, #tpu.memory_space<hbm>>
    %dma_start3A_122 = arith.constant 32768 : i32
    %dma_start3A_123 = tpu.memref_slice %arg17[%dma_start3A_122] : memref<100000xf32, #tpu.memory_space<vmem>> -> memref<32768xf32, #tpu.memory_space<vmem>>
    %dma_start3A_124 = arith.constant 32768 : i32
    %dma_start3A_125 = tpu.memref_slice %arg5[%add3A_106, %dma_start3A_124] : memref<64x100000xf32, #tpu.memory_space<hbm>> -> memref<1x32768xf32, #tpu.memory_space<hbm>>
    %dma_start3A_126 = tpu.memref_squeeze %dma_start3A_125 : memref<1x32768xf32, #tpu.memory_space<hbm>> -> memref<32768xf32, #tpu.memory_space<hbm>>
    tpu.enqueue_dma source(%dma_start3A_126 : memref<32768xf32, #tpu.memory_space<hbm>>) target(%dma_start3A_123 : memref<32768xf32, #tpu.memory_space<vmem>>) target_semaphore(%arg19 : memref<!tpu.dma_semaphore, #tpu.memory_space<semaphore_mem>>)
    %dma_start3A_127 = arith.constant 65536 : i32
    %dma_start3A_128 = tpu.memref_slice %arg17[%dma_start3A_127] : memref<100000xf32, #tpu.memory_space<vmem>> -> memref<32768xf32, #tpu.memory_space<vmem>>
    %dma_start3A_129 = arith.constant 65536 : i32
    %dma_start3A_130 = tpu.memref_slice %arg5[%add3A_106, %dma_start3A_129] : memref<64x100000xf32, #tpu.memory_space<hbm>> -> memref<1x32768xf32, #tpu.memory_space<hbm>>
    %dma_start3A_131 = tpu.memref_squeeze %dma_start3A_130 : memref<1x32768xf32, #tpu.memory_space<hbm>> -> memref<32768xf32, #tpu.memory_space<hbm>>
    %dma_start3A_132 = arith.constant 65536 : i32
    %dma_start3A_133 = tpu.memref_slice %arg17[%dma_start3A_132] : memref<100000xf32, #tpu.memory_space<vmem>> -> memref<32768xf32, #tpu.memory_space<vmem>>
    %dma_start3A_134 = arith.constant 65536 : i32
    %dma_start3A_135 = tpu.memref_slice %arg5[%add3A_106, %dma_start3A_134] : memref<64x100000xf32, #tpu.memory_space<hbm>> -> memref<1x32768xf32, #tpu.memory_space<hbm>>
    %dma_start3A_136 = tpu.memref_squeeze %dma_start3A_135 : memref<1x32768xf32, #tpu.memory_space<hbm>> -> memref<32768xf32, #tpu.memory_space<hbm>>
    tpu.enqueue_dma source(%dma_start3A_136 : memref<32768xf32, #tpu.memory_space<hbm>>) target(%dma_start3A_133 : memref<32768xf32, #tpu.memory_space<vmem>>) target_semaphore(%arg19 : memref<!tpu.dma_semaphore, #tpu.memory_space<semaphore_mem>>)
    %dma_start3A_137 = arith.constant 98304 : i32
    %dma_start3A_138 = tpu.memref_slice %arg17[%dma_start3A_137] : memref<100000xf32, #tpu.memory_space<vmem>> -> memref<1664xf32, #tpu.memory_space<vmem>>
    %dma_start3A_139 = arith.constant 98304 : i32
    %dma_start3A_140 = tpu.memref_slice %arg5[%add3A_106, %dma_start3A_139] : memref<64x100000xf32, #tpu.memory_space<hbm>> -> memref<1x1664xf32, #tpu.memory_space<hbm>>
    %dma_start3A_141 = tpu.memref_squeeze %dma_start3A_140 : memref<1x1664xf32, #tpu.memory_space<hbm>> -> memref<1664xf32, #tpu.memory_space<hbm>>
    %dma_start3A_142 = arith.constant 98304 : i32
    %dma_start3A_143 = tpu.memref_slice %arg17[%dma_start3A_142] : memref<100000xf32, #tpu.memory_space<vmem>> -> memref<1664xf32, #tpu.memory_space<vmem>>
    %dma_start3A_144 = arith.constant 98304 : i32
    %dma_start3A_145 = tpu.memref_slice %arg5[%add3A_106, %dma_start3A_144] : memref<64x100000xf32, #tpu.memory_space<hbm>> -> memref<1x1664xf32, #tpu.memory_space<hbm>>
    %dma_start3A_146 = tpu.memref_squeeze %dma_start3A_145 : memref<1x1664xf32, #tpu.memory_space<hbm>> -> memref<1664xf32, #tpu.memory_space<hbm>>
    tpu.enqueue_dma source(%dma_start3A_146 : memref<1664xf32, #tpu.memory_space<hbm>>) target(%dma_start3A_143 : memref<1664xf32, #tpu.memory_space<vmem>>) target_semaphore(%arg19 : memref<!tpu.dma_semaphore, #tpu.memory_space<semaphore_mem>>)
    %mul3A_147 = arith.constant 32 : i32
    %mul3A_148 = arith.muli %add3A_106, %mul3A_147 : i32
    %dma_start3A_149 = arith.constant 99968 : i32
    %dma_start3A_150 = tpu.memref_slice %arg17[%dma_start3A_149] : memref<100000xf32, #tpu.memory_space<vmem>> -> memref<32xf32, #tpu.memory_space<vmem>>
    %dma_start3A_151 = tpu.memref_slice %arg8[%mul3A_148] : memref<2048xf32, #tpu.memory_space<hbm>> -> memref<32xf32, #tpu.memory_space<hbm>>
    %dma_start3A_152 = arith.constant 99968 : i32
    %dma_start3A_153 = tpu.memref_slice %arg17[%dma_start3A_152] : memref<100000xf32, #tpu.memory_space<vmem>> -> memref<32xf32, #tpu.memory_space<vmem>>
    %dma_start3A_154 = tpu.memref_slice %arg8[%mul3A_148] : memref<2048xf32, #tpu.memory_space<hbm>> -> memref<32xf32, #tpu.memory_space<hbm>>
    tpu.enqueue_dma source(%dma_start3A_154 : memref<32xf32, #tpu.memory_space<hbm>>) target(%dma_start3A_153 : memref<32xf32, #tpu.memory_space<vmem>>) target_semaphore(%arg19 : memref<!tpu.dma_semaphore, #tpu.memory_space<semaphore_mem>>)
    %dma_wait3A_155 = arith.constant 0 : i32
    %dma_wait3A_156 = tpu.memref_slice %arg17[%dma_wait3A_155] : memref<100000xf32, #tpu.memory_space<vmem>> -> memref<32768xf32, #tpu.memory_space<vmem>>
    %dma_wait3A_157 = arith.constant 0 : i32
    %dma_wait3A_158 = tpu.memref_slice %arg5[%add3A_106, %dma_wait3A_157] : memref<64x100000xf32, #tpu.memory_space<hbm>> -> memref<1x32768xf32, #tpu.memory_space<hbm>>
    %dma_wait3A_159 = tpu.memref_squeeze %dma_wait3A_158 : memref<1x32768xf32, #tpu.memory_space<hbm>> -> memref<32768xf32, #tpu.memory_space<hbm>>
    %dma_wait3A_160 = arith.constant 0 : i32
    %dma_wait3A_161 = tpu.memref_slice %arg17[%dma_wait3A_160] : memref<100000xf32, #tpu.memory_space<vmem>> -> memref<32768xf32, #tpu.memory_space<vmem>>
    %dma_wait3A_162 = arith.constant 0 : i32
    %dma_wait3A_163 = tpu.memref_slice %arg5[%add3A_106, %dma_wait3A_162] : memref<64x100000xf32, #tpu.memory_space<hbm>> -> memref<1x32768xf32, #tpu.memory_space<hbm>>
    %dma_wait3A_164 = tpu.memref_squeeze %dma_wait3A_163 : memref<1x32768xf32, #tpu.memory_space<hbm>> -> memref<32768xf32, #tpu.memory_space<hbm>>
    tpu.wait_dma2 semaphore(%arg19 : memref<!tpu.dma_semaphore, #tpu.memory_space<semaphore_mem>>) src(%dma_wait3A_164 : memref<32768xf32, #tpu.memory_space<hbm>>) dst(%dma_wait3A_161 : memref<32768xf32, #tpu.memory_space<vmem>>)
    %dma_wait3A_165 = arith.constant 32768 : i32
    %dma_wait3A_166 = tpu.memref_slice %arg17[%dma_wait3A_165] : memref<100000xf32, #tpu.memory_space<vmem>> -> memref<32768xf32, #tpu.memory_space<vmem>>
    %dma_wait3A_167 = arith.constant 32768 : i32
    %dma_wait3A_168 = tpu.memref_slice %arg5[%add3A_106, %dma_wait3A_167] : memref<64x100000xf32, #tpu.memory_space<hbm>> -> memref<1x32768xf32, #tpu.memory_space<hbm>>
    %dma_wait3A_169 = tpu.memref_squeeze %dma_wait3A_168 : memref<1x32768xf32, #tpu.memory_space<hbm>> -> memref<32768xf32, #tpu.memory_space<hbm>>
    %dma_wait3A_170 = arith.constant 32768 : i32
    %dma_wait3A_171 = tpu.memref_slice %arg17[%dma_wait3A_170] : memref<100000xf32, #tpu.memory_space<vmem>> -> memref<32768xf32, #tpu.memory_space<vmem>>
    %dma_wait3A_172 = arith.constant 32768 : i32
    %dma_wait3A_173 = tpu.memref_slice %arg5[%add3A_106, %dma_wait3A_172] : memref<64x100000xf32, #tpu.memory_space<hbm>> -> memref<1x32768xf32, #tpu.memory_space<hbm>>
    %dma_wait3A_174 = tpu.memref_squeeze %dma_wait3A_173 : memref<1x32768xf32, #tpu.memory_space<hbm>> -> memref<32768xf32, #tpu.memory_space<hbm>>
    tpu.wait_dma2 semaphore(%arg19 : memref<!tpu.dma_semaphore, #tpu.memory_space<semaphore_mem>>) src(%dma_wait3A_174 : memref<32768xf32, #tpu.memory_space<hbm>>) dst(%dma_wait3A_171 : memref<32768xf32, #tpu.memory_space<vmem>>)
    %dma_wait3A_175 = arith.constant 65536 : i32
    %dma_wait3A_176 = tpu.memref_slice %arg17[%dma_wait3A_175] : memref<100000xf32, #tpu.memory_space<vmem>> -> memref<32768xf32, #tpu.memory_space<vmem>>
    %dma_wait3A_177 = arith.constant 65536 : i32
    %dma_wait3A_178 = tpu.memref_slice %arg5[%add3A_106, %dma_wait3A_177] : memref<64x100000xf32, #tpu.memory_space<hbm>> -> memref<1x32768xf32, #tpu.memory_space<hbm>>
    %dma_wait3A_179 = tpu.memref_squeeze %dma_wait3A_178 : memref<1x32768xf32, #tpu.memory_space<hbm>> -> memref<32768xf32, #tpu.memory_space<hbm>>
    %dma_wait3A_180 = arith.constant 65536 : i32
    %dma_wait3A_181 = tpu.memref_slice %arg17[%dma_wait3A_180] : memref<100000xf32, #tpu.memory_space<vmem>> -> memref<32768xf32, #tpu.memory_space<vmem>>
    %dma_wait3A_182 = arith.constant 65536 : i32
    %dma_wait3A_183 = tpu.memref_slice %arg5[%add3A_106, %dma_wait3A_182] : memref<64x100000xf32, #tpu.memory_space<hbm>> -> memref<1x32768xf32, #tpu.memory_space<hbm>>
    %dma_wait3A_184 = tpu.memref_squeeze %dma_wait3A_183 : memref<1x32768xf32, #tpu.memory_space<hbm>> -> memref<32768xf32, #tpu.memory_space<hbm>>
    tpu.wait_dma2 semaphore(%arg19 : memref<!tpu.dma_semaphore, #tpu.memory_space<semaphore_mem>>) src(%dma_wait3A_184 : memref<32768xf32, #tpu.memory_space<hbm>>) dst(%dma_wait3A_181 : memref<32768xf32, #tpu.memory_space<vmem>>)
    %dma_wait3A_185 = arith.constant 98304 : i32
    %dma_wait3A_186 = tpu.memref_slice %arg17[%dma_wait3A_185] : memref<100000xf32, #tpu.memory_space<vmem>> -> memref<1664xf32, #tpu.memory_space<vmem>>
    %dma_wait3A_187 = arith.constant 98304 : i32
    %dma_wait3A_188 = tpu.memref_slice %arg5[%add3A_106, %dma_wait3A_187] : memref<64x100000xf32, #tpu.memory_space<hbm>> -> memref<1x1664xf32, #tpu.memory_space<hbm>>
    %dma_wait3A_189 = tpu.memref_squeeze %dma_wait3A_188 : memref<1x1664xf32, #tpu.memory_space<hbm>> -> memref<1664xf32, #tpu.memory_space<hbm>>
    %dma_wait3A_190 = arith.constant 98304 : i32
    %dma_wait3A_191 = tpu.memref_slice %arg17[%dma_wait3A_190] : memref<100000xf32, #tpu.memory_space<vmem>> -> memref<1664xf32, #tpu.memory_space<vmem>>
    %dma_wait3A_192 = arith.constant 98304 : i32
    %dma_wait3A_193 = tpu.memref_slice %arg5[%add3A_106, %dma_wait3A_192] : memref<64x100000xf32, #tpu.memory_space<hbm>> -> memref<1x1664xf32, #tpu.memory_space<hbm>>
    %dma_wait3A_194 = tpu.memref_squeeze %dma_wait3A_193 : memref<1x1664xf32, #tpu.memory_space<hbm>> -> memref<1664xf32, #tpu.memory_space<hbm>>
    tpu.wait_dma2 semaphore(%arg19 : memref<!tpu.dma_semaphore, #tpu.memory_space<semaphore_mem>>) src(%dma_wait3A_194 : memref<1664xf32, #tpu.memory_space<hbm>>) dst(%dma_wait3A_191 : memref<1664xf32, #tpu.memory_space<vmem>>)
    %dma_wait3A_195 = arith.constant 99968 : i32
    %dma_wait3A_196 = tpu.memref_slice %arg17[%dma_wait3A_195] : memref<100000xf32, #tpu.memory_space<vmem>> -> memref<32xf32, #tpu.memory_space<vmem>>
    %dma_wait3A_197 = tpu.memref_slice %arg8[%mul3A_148] : memref<2048xf32, #tpu.memory_space<hbm>> -> memref<32xf32, #tpu.memory_space<hbm>>
    %dma_wait3A_198 = arith.constant 99968 : i32
    %dma_wait3A_199 = tpu.memref_slice %arg17[%dma_wait3A_198] : memref<100000xf32, #tpu.memory_space<vmem>> -> memref<32xf32, #tpu.memory_space<vmem>>
    %dma_wait3A_200 = tpu.memref_slice %arg8[%mul3A_148] : memref<2048xf32, #tpu.memory_space<hbm>> -> memref<32xf32, #tpu.memory_space<hbm>>
    tpu.wait_dma2 semaphore(%arg19 : memref<!tpu.dma_semaphore, #tpu.memory_space<semaphore_mem>>) src(%dma_wait3A_200 : memref<32xf32, #tpu.memory_space<hbm>>) dst(%dma_wait3A_199 : memref<32xf32, #tpu.memory_space<vmem>>)
    %scan3A_201 = arith.constant 0 : i32
    %scan3A_202 = arith.constant 0 : i32
    %scan3A_203 = arith.constant 256 : i32
    %scan3A_204 = arith.addi %scan3A_202, %scan3A_203 : i32
    %scan3A_205 = arith.constant 1 : i32
    %scan3A_206 = scf.for %scan3A_521 = %scan3A_202 to %scan3A_204 step %scan3A_205 iter_args(%scan3A_522 = %scan3A_201) -> (i32)  : i32 {
      %mul3A_523 = arith.constant 16 : i32
      %mul3A_524 = arith.muli %scan3A_521, %mul3A_523 : i32
      %get3A = arith.index_cast %mul3A_524 : i32 to index
      %get3A_525 = tpu.vector_load %arg15[%get3A] {strides = array<i32>} : memref<4096xi32, #tpu.memory_space<vmem>>, vector<16xi32>,
      %gather3A = tpu.vector_load_idx %arg17[%get3A_525] : memref<100000xf32, #tpu.memory_space<vmem>>[vector<16xi32>], vector<16xf32>,
      %mul3A_526 = arith.constant 16 : i32
      %mul3A_527 = arith.muli %scan3A_521, %mul3A_526 : i32
      %swap3A = arith.index_cast %mul3A_527 : i32 to index
      %swap3A_528 = tpu.vector_load %arg18[%swap3A] {strides = array<i32>} : memref<4096xf32, #tpu.memory_space<vmem>>, vector<16xf32>,
      tpu.vector_store %arg18[%swap3A], %gather3A {strides = array<i32>} : memref<4096xf32, #tpu.memory_space<vmem>>, vector<16xf32>,
      %scan3A_529 = arith.constant 0 : i32
      scf.yield %scan3A_529 : i32
    }
    %scan3A_207 = arith.constant 256 : i32
    "tpu.region"() ({
      %run_scoped3A = tpu.sem_alloc : memref<!tpu.dma_semaphore, #tpu.memory_space<semaphore_mem>>
      %dma_start3A_521 = arith.constant 0 : i32
      %dma_start3A_522 = tpu.memref_slice %arg11[%add3A_106, %dma_start3A_521] : memref<64x4096xf32, #tpu.memory_space<hbm>> -> memref<1x4096xf32, #tpu.memory_space<hbm>>
      %dma_start3A_523 = tpu.memref_squeeze %dma_start3A_522 : memref<1x4096xf32, #tpu.memory_space<hbm>> -> memref<4096xf32, #tpu.memory_space<hbm>>
      %dma_start3A_524 = arith.constant 0 : i32
      %dma_start3A_525 = tpu.memref_slice %arg11[%add3A_106, %dma_start3A_524] : memref<64x4096xf32, #tpu.memory_space<hbm>> -> memref<1x4096xf32, #tpu.memory_space<hbm>>
      %dma_start3A_526 = tpu.memref_squeeze %dma_start3A_525 : memref<1x4096xf32, #tpu.memory_space<hbm>> -> memref<4096xf32, #tpu.memory_space<hbm>>
      tpu.enqueue_dma source(%arg18 : memref<4096xf32, #tpu.memory_space<vmem>>) target(%dma_start3A_526 : memref<4096xf32, #tpu.memory_space<hbm>>) target_semaphore(%run_scoped3A : memref<!tpu.dma_semaphore, #tpu.memory_space<semaphore_mem>>)
      %dma_wait3A_527 = arith.constant 0 : i32
      %dma_wait3A_528 = tpu.memref_slice %arg11[%add3A_106, %dma_wait3A_527] : memref<64x4096xf32, #tpu.memory_space<hbm>> -> memref<1x4096xf32, #tpu.memory_space<hbm>>
      %dma_wait3A_529 = tpu.memref_squeeze %dma_wait3A_528 : memref<1x4096xf32, #tpu.memory_space<hbm>> -> memref<4096xf32, #tpu.memory_space<hbm>>
      %dma_wait3A_530 = arith.constant 0 : i32
      %dma_wait3A_531 = tpu.memref_slice %arg11[%add3A_106, %dma_wait3A_530] : memref<64x4096xf32, #tpu.memory_space<hbm>> -> memref<1x4096xf32, #tpu.memory_space<hbm>>
      %dma_wait3A_532 = tpu.memref_squeeze %dma_wait3A_531 : memref<1x4096xf32, #tpu.memory_space<hbm>> -> memref<4096xf32, #tpu.memory_space<hbm>>
      tpu.wait_dma2 semaphore(%run_scoped3A : memref<!tpu.dma_semaphore, #tpu.memory_space<semaphore_mem>>) src(%arg18 : memref<4096xf32, #tpu.memory_space<vmem>>) dst(%dma_wait3A_532 : memref<4096xf32, #tpu.memory_space<hbm>>)
      tpu.yield
    }) : () -> ()
    %mul3A_208 = arith.constant 2 : i32
    %mul3A_209 = arith.muli %add3A, %mul3A_208 : i32
    %add3A_210 = arith.constant 0 : i32
    %add3A_211 = arith.addi %mul3A_209, %add3A_210 : i32
    %dma_start3A_212 = arith.constant 0 : i32
    %dma_start3A_213 = tpu.memref_slice %arg17[%dma_start3A_212] : memref<100000xf32, #tpu.memory_space<vmem>> -> memref<32768xf32, #tpu.memory_space<vmem>>
    %dma_start3A_214 = arith.constant 0 : i32
    %dma_start3A_215 = tpu.memref_slice %arg6[%add3A_211, %dma_start3A_214] : memref<64x100000xf32, #tpu.memory_space<hbm>> -> memref<1x32768xf32, #tpu.memory_space<hbm>>
    %dma_start3A_216 = tpu.memref_squeeze %dma_start3A_215 : memref<1x32768xf32, #tpu.memory_space<hbm>> -> memref<32768xf32, #tpu.memory_space<hbm>>
    %dma_start3A_217 = arith.constant 0 : i32
    %dma_start3A_218 = tpu.memref_slice %arg17[%dma_start3A_217] : memref<100000xf32, #tpu.memory_space<vmem>> -> memref<32768xf32, #tpu.memory_space<vmem>>
    %dma_start3A_219 = arith.constant 0 : i32
    %dma_start3A_220 = tpu.memref_slice %arg6[%add3A_211, %dma_start3A_219] : memref<64x100000xf32, #tpu.memory_space<hbm>> -> memref<1x32768xf32, #tpu.memory_space<hbm>>
    %dma_start3A_221 = tpu.memref_squeeze %dma_start3A_220 : memref<1x32768xf32, #tpu.memory_space<hbm>> -> memref<32768xf32, #tpu.memory_space<hbm>>
    tpu.enqueue_dma source(%dma_start3A_221 : memref<32768xf32, #tpu.memory_space<hbm>>) target(%dma_start3A_218 : memref<32768xf32, #tpu.memory_space<vmem>>) target_semaphore(%arg19 : memref<!tpu.dma_semaphore, #tpu.memory_space<semaphore_mem>>)
    %dma_start3A_222 = arith.constant 32768 : i32
    %dma_start3A_223 = tpu.memref_slice %arg17[%dma_start3A_222] : memref<100000xf32, #tpu.memory_space<vmem>> -> memref<32768xf32, #tpu.memory_space<vmem>>
    %dma_start3A_224 = arith.constant 32768 : i32
    %dma_start3A_225 = tpu.memref_slice %arg6[%add3A_211, %dma_start3A_224] : memref<64x100000xf32, #tpu.memory_space<hbm>> -> memref<1x32768xf32, #tpu.memory_space<hbm>>
    %dma_start3A_226 = tpu.memref_squeeze %dma_start3A_225 : memref<1x32768xf32, #tpu.memory_space<hbm>> -> memref<32768xf32, #tpu.memory_space<hbm>>
    %dma_start3A_227 = arith.constant 32768 : i32
    %dma_start3A_228 = tpu.memref_slice %arg17[%dma_start3A_227] : memref<100000xf32, #tpu.memory_space<vmem>> -> memref<32768xf32, #tpu.memory_space<vmem>>
    %dma_start3A_229 = arith.constant 32768 : i32
    %dma_start3A_230 = tpu.memref_slice %arg6[%add3A_211, %dma_start3A_229] : memref<64x100000xf32, #tpu.memory_space<hbm>> -> memref<1x32768xf32, #tpu.memory_space<hbm>>
    %dma_start3A_231 = tpu.memref_squeeze %dma_start3A_230 : memref<1x32768xf32, #tpu.memory_space<hbm>> -> memref<32768xf32, #tpu.memory_space<hbm>>
    tpu.enqueue_dma source(%dma_start3A_231 : memref<32768xf32, #tpu.memory_space<hbm>>) target(%dma_start3A_228 : memref<32768xf32, #tpu.memory_space<vmem>>) target_semaphore(%arg19 : memref<!tpu.dma_semaphore, #tpu.memory_space<semaphore_mem>>)
    %dma_start3A_232 = arith.constant 65536 : i32
    %dma_start3A_233 = tpu.memref_slice %arg17[%dma_start3A_232] : memref<100000xf32, #tpu.memory_space<vmem>> -> memref<32768xf32, #tpu.memory_space<vmem>>
    %dma_start3A_234 = arith.constant 65536 : i32
    %dma_start3A_235 = tpu.memref_slice %arg6[%add3A_211, %dma_start3A_234] : memref<64x100000xf32, #tpu.memory_space<hbm>> -> memref<1x32768xf32, #tpu.memory_space<hbm>>
    %dma_start3A_236 = tpu.memref_squeeze %dma_start3A_235 : memref<1x32768xf32, #tpu.memory_space<hbm>> -> memref<32768xf32, #tpu.memory_space<hbm>>
    %dma_start3A_237 = arith.constant 65536 : i32
    %dma_start3A_238 = tpu.memref_slice %arg17[%dma_start3A_237] : memref<100000xf32, #tpu.memory_space<vmem>> -> memref<32768xf32, #tpu.memory_space<vmem>>
    %dma_start3A_239 = arith.constant 65536 : i32
    %dma_start3A_240 = tpu.memref_slice %arg6[%add3A_211, %dma_start3A_239] : memref<64x100000xf32, #tpu.memory_space<hbm>> -> memref<1x32768xf32, #tpu.memory_space<hbm>>
    %dma_start3A_241 = tpu.memref_squeeze %dma_start3A_240 : memref<1x32768xf32, #tpu.memory_space<hbm>> -> memref<32768xf32, #tpu.memory_space<hbm>>
    tpu.enqueue_dma source(%dma_start3A_241 : memref<32768xf32, #tpu.memory_space<hbm>>) target(%dma_start3A_238 : memref<32768xf32, #tpu.memory_space<vmem>>) target_semaphore(%arg19 : memref<!tpu.dma_semaphore, #tpu.memory_space<semaphore_mem>>)
    %dma_start3A_242 = arith.constant 98304 : i32
    %dma_start3A_243 = tpu.memref_slice %arg17[%dma_start3A_242] : memref<100000xf32, #tpu.memory_space<vmem>> -> memref<1664xf32, #tpu.memory_space<vmem>>
    %dma_start3A_244 = arith.constant 98304 : i32
    %dma_start3A_245 = tpu.memref_slice %arg6[%add3A_211, %dma_start3A_244] : memref<64x100000xf32, #tpu.memory_space<hbm>> -> memref<1x1664xf32, #tpu.memory_space<hbm>>
    %dma_start3A_246 = tpu.memref_squeeze %dma_start3A_245 : memref<1x1664xf32, #tpu.memory_space<hbm>> -> memref<1664xf32, #tpu.memory_space<hbm>>
    %dma_start3A_247 = arith.constant 98304 : i32
    %dma_start3A_248 = tpu.memref_slice %arg17[%dma_start3A_247] : memref<100000xf32, #tpu.memory_space<vmem>> -> memref<1664xf32, #tpu.memory_space<vmem>>
    %dma_start3A_249 = arith.constant 98304 : i32
    %dma_start3A_250 = tpu.memref_slice %arg6[%add3A_211, %dma_start3A_249] : memref<64x100000xf32, #tpu.memory_space<hbm>> -> memref<1x1664xf32, #tpu.memory_space<hbm>>
    %dma_start3A_251 = tpu.memref_squeeze %dma_start3A_250 : memref<1x1664xf32, #tpu.memory_space<hbm>> -> memref<1664xf32, #tpu.memory_space<hbm>>
    tpu.enqueue_dma source(%dma_start3A_251 : memref<1664xf32, #tpu.memory_space<hbm>>) target(%dma_start3A_248 : memref<1664xf32, #tpu.memory_space<vmem>>) target_semaphore(%arg19 : memref<!tpu.dma_semaphore, #tpu.memory_space<semaphore_mem>>)
    %mul3A_252 = arith.constant 32 : i32
    %mul3A_253 = arith.muli %add3A_211, %mul3A_252 : i32
    %dma_start3A_254 = arith.constant 99968 : i32
    %dma_start3A_255 = tpu.memref_slice %arg17[%dma_start3A_254] : memref<100000xf32, #tpu.memory_space<vmem>> -> memref<32xf32, #tpu.memory_space<vmem>>
    %dma_start3A_256 = tpu.memref_slice %arg9[%mul3A_253] : memref<2048xf32, #tpu.memory_space<hbm>> -> memref<32xf32, #tpu.memory_space<hbm>>
    %dma_start3A_257 = arith.constant 99968 : i32
    %dma_start3A_258 = tpu.memref_slice %arg17[%dma_start3A_257] : memref<100000xf32, #tpu.memory_space<vmem>> -> memref<32xf32, #tpu.memory_space<vmem>>
    %dma_start3A_259 = tpu.memref_slice %arg9[%mul3A_253] : memref<2048xf32, #tpu.memory_space<hbm>> -> memref<32xf32, #tpu.memory_space<hbm>>
    tpu.enqueue_dma source(%dma_start3A_259 : memref<32xf32, #tpu.memory_space<hbm>>) target(%dma_start3A_258 : memref<32xf32, #tpu.memory_space<vmem>>) target_semaphore(%arg19 : memref<!tpu.dma_semaphore, #tpu.memory_space<semaphore_mem>>)
    %dma_wait3A_260 = arith.constant 0 : i32
    %dma_wait3A_261 = tpu.memref_slice %arg17[%dma_wait3A_260] : memref<100000xf32, #tpu.memory_space<vmem>> -> memref<32768xf32, #tpu.memory_space<vmem>>
    %dma_wait3A_262 = arith.constant 0 : i32
    %dma_wait3A_263 = tpu.memref_slice %arg6[%add3A_211, %dma_wait3A_262] : memref<64x100000xf32, #tpu.memory_space<hbm>> -> memref<1x32768xf32, #tpu.memory_space<hbm>>
    %dma_wait3A_264 = tpu.memref_squeeze %dma_wait3A_263 : memref<1x32768xf32, #tpu.memory_space<hbm>> -> memref<32768xf32, #tpu.memory_space<hbm>>
    %dma_wait3A_265 = arith.constant 0 : i32
    %dma_wait3A_266 = tpu.memref_slice %arg17[%dma_wait3A_265] : memref<100000xf32, #tpu.memory_space<vmem>> -> memref<32768xf32, #tpu.memory_space<vmem>>
    %dma_wait3A_267 = arith.constant 0 : i32
    %dma_wait3A_268 = tpu.memref_slice %arg6[%add3A_211, %dma_wait3A_267] : memref<64x100000xf32, #tpu.memory_space<hbm>> -> memref<1x32768xf32, #tpu.memory_space<hbm>>
    %dma_wait3A_269 = tpu.memref_squeeze %dma_wait3A_268 : memref<1x32768xf32, #tpu.memory_space<hbm>> -> memref<32768xf32, #tpu.memory_space<hbm>>
    tpu.wait_dma2 semaphore(%arg19 : memref<!tpu.dma_semaphore, #tpu.memory_space<semaphore_mem>>) src(%dma_wait3A_269 : memref<32768xf32, #tpu.memory_space<hbm>>) dst(%dma_wait3A_266 : memref<32768xf32, #tpu.memory_space<vmem>>)
    %dma_wait3A_270 = arith.constant 32768 : i32
    %dma_wait3A_271 = tpu.memref_slice %arg17[%dma_wait3A_270] : memref<100000xf32, #tpu.memory_space<vmem>> -> memref<32768xf32, #tpu.memory_space<vmem>>
    %dma_wait3A_272 = arith.constant 32768 : i32
    %dma_wait3A_273 = tpu.memref_slice %arg6[%add3A_211, %dma_wait3A_272] : memref<64x100000xf32, #tpu.memory_space<hbm>> -> memref<1x32768xf32, #tpu.memory_space<hbm>>
    %dma_wait3A_274 = tpu.memref_squeeze %dma_wait3A_273 : memref<1x32768xf32, #tpu.memory_space<hbm>> -> memref<32768xf32, #tpu.memory_space<hbm>>
    %dma_wait3A_275 = arith.constant 32768 : i32
    %dma_wait3A_276 = tpu.memref_slice %arg17[%dma_wait3A_275] : memref<100000xf32, #tpu.memory_space<vmem>> -> memref<32768xf32, #tpu.memory_space<vmem>>
    %dma_wait3A_277 = arith.constant 32768 : i32
    %dma_wait3A_278 = tpu.memref_slice %arg6[%add3A_211, %dma_wait3A_277] : memref<64x100000xf32, #tpu.memory_space<hbm>> -> memref<1x32768xf32, #tpu.memory_space<hbm>>
    %dma_wait3A_279 = tpu.memref_squeeze %dma_wait3A_278 : memref<1x32768xf32, #tpu.memory_space<hbm>> -> memref<32768xf32, #tpu.memory_space<hbm>>
    tpu.wait_dma2 semaphore(%arg19 : memref<!tpu.dma_semaphore, #tpu.memory_space<semaphore_mem>>) src(%dma_wait3A_279 : memref<32768xf32, #tpu.memory_space<hbm>>) dst(%dma_wait3A_276 : memref<32768xf32, #tpu.memory_space<vmem>>)
    %dma_wait3A_280 = arith.constant 65536 : i32
    %dma_wait3A_281 = tpu.memref_slice %arg17[%dma_wait3A_280] : memref<100000xf32, #tpu.memory_space<vmem>> -> memref<32768xf32, #tpu.memory_space<vmem>>
    %dma_wait3A_282 = arith.constant 65536 : i32
    %dma_wait3A_283 = tpu.memref_slice %arg6[%add3A_211, %dma_wait3A_282] : memref<64x100000xf32, #tpu.memory_space<hbm>> -> memref<1x32768xf32, #tpu.memory_space<hbm>>
    %dma_wait3A_284 = tpu.memref_squeeze %dma_wait3A_283 : memref<1x32768xf32, #tpu.memory_space<hbm>> -> memref<32768xf32, #tpu.memory_space<hbm>>
    %dma_wait3A_285 = arith.constant 65536 : i32
    %dma_wait3A_286 = tpu.memref_slice %arg17[%dma_wait3A_285] : memref<100000xf32, #tpu.memory_space<vmem>> -> memref<32768xf32, #tpu.memory_space<vmem>>
    %dma_wait3A_287 = arith.constant 65536 : i32
    %dma_wait3A_288 = tpu.memref_slice %arg6[%add3A_211, %dma_wait3A_287] : memref<64x100000xf32, #tpu.memory_space<hbm>> -> memref<1x32768xf32, #tpu.memory_space<hbm>>
    %dma_wait3A_289 = tpu.memref_squeeze %dma_wait3A_288 : memref<1x32768xf32, #tpu.memory_space<hbm>> -> memref<32768xf32, #tpu.memory_space<hbm>>
    tpu.wait_dma2 semaphore(%arg19 : memref<!tpu.dma_semaphore, #tpu.memory_space<semaphore_mem>>) src(%dma_wait3A_289 : memref<32768xf32, #tpu.memory_space<hbm>>) dst(%dma_wait3A_286 : memref<32768xf32, #tpu.memory_space<vmem>>)
    %dma_wait3A_290 = arith.constant 98304 : i32
    %dma_wait3A_291 = tpu.memref_slice %arg17[%dma_wait3A_290] : memref<100000xf32, #tpu.memory_space<vmem>> -> memref<1664xf32, #tpu.memory_space<vmem>>
    %dma_wait3A_292 = arith.constant 98304 : i32
    %dma_wait3A_293 = tpu.memref_slice %arg6[%add3A_211, %dma_wait3A_292] : memref<64x100000xf32, #tpu.memory_space<hbm>> -> memref<1x1664xf32, #tpu.memory_space<hbm>>
    %dma_wait3A_294 = tpu.memref_squeeze %dma_wait3A_293 : memref<1x1664xf32, #tpu.memory_space<hbm>> -> memref<1664xf32, #tpu.memory_space<hbm>>
    %dma_wait3A_295 = arith.constant 98304 : i32
    %dma_wait3A_296 = tpu.memref_slice %arg17[%dma_wait3A_295] : memref<100000xf32, #tpu.memory_space<vmem>> -> memref<1664xf32, #tpu.memory_space<vmem>>
    %dma_wait3A_297 = arith.constant 98304 : i32
    %dma_wait3A_298 = tpu.memref_slice %arg6[%add3A_211, %dma_wait3A_297] : memref<64x100000xf32, #tpu.memory_space<hbm>> -> memref<1x1664xf32, #tpu.memory_space<hbm>>
    %dma_wait3A_299 = tpu.memref_squeeze %dma_wait3A_298 : memref<1x1664xf32, #tpu.memory_space<hbm>> -> memref<1664xf32, #tpu.memory_space<hbm>>
    tpu.wait_dma2 semaphore(%arg19 : memref<!tpu.dma_semaphore, #tpu.memory_space<semaphore_mem>>) src(%dma_wait3A_299 : memref<1664xf32, #tpu.memory_space<hbm>>) dst(%dma_wait3A_296 : memref<1664xf32, #tpu.memory_space<vmem>>)
    %dma_wait3A_300 = arith.constant 99968 : i32
    %dma_wait3A_301 = tpu.memref_slice %arg17[%dma_wait3A_300] : memref<100000xf32, #tpu.memory_space<vmem>> -> memref<32xf32, #tpu.memory_space<vmem>>
    %dma_wait3A_302 = tpu.memref_slice %arg9[%mul3A_253] : memref<2048xf32, #tpu.memory_space<hbm>> -> memref<32xf32, #tpu.memory_space<hbm>>
    %dma_wait3A_303 = arith.constant 99968 : i32
    %dma_wait3A_304 = tpu.memref_slice %arg17[%dma_wait3A_303] : memref<100000xf32, #tpu.memory_space<vmem>> -> memref<32xf32, #tpu.memory_space<vmem>>
    %dma_wait3A_305 = tpu.memref_slice %arg9[%mul3A_253] : memref<2048xf32, #tpu.memory_space<hbm>> -> memref<32xf32, #tpu.memory_space<hbm>>
    tpu.wait_dma2 semaphore(%arg19 : memref<!tpu.dma_semaphore, #tpu.memory_space<semaphore_mem>>) src(%dma_wait3A_305 : memref<32xf32, #tpu.memory_space<hbm>>) dst(%dma_wait3A_304 : memref<32xf32, #tpu.memory_space<vmem>>)
    %scan3A_306 = arith.constant 0 : i32
    %scan3A_307 = arith.constant 0 : i32
    %scan3A_308 = arith.constant 256 : i32
    %scan3A_309 = arith.addi %scan3A_307, %scan3A_308 : i32
    %scan3A_310 = arith.constant 1 : i32
    %scan3A_311 = scf.for %scan3A_521 = %scan3A_307 to %scan3A_309 step %scan3A_310 iter_args(%scan3A_522 = %scan3A_306) -> (i32)  : i32 {
      %mul3A_523 = arith.constant 16 : i32
      %mul3A_524 = arith.muli %scan3A_521, %mul3A_523 : i32
      %get3A = arith.index_cast %mul3A_524 : i32 to index
      %get3A_525 = tpu.vector_load %arg16[%get3A] {strides = array<i32>} : memref<4096xi32, #tpu.memory_space<vmem>>, vector<16xi32>,
      %gather3A = tpu.vector_load_idx %arg17[%get3A_525] : memref<100000xf32, #tpu.memory_space<vmem>>[vector<16xi32>], vector<16xf32>,
      %mul3A_526 = arith.constant 16 : i32
      %mul3A_527 = arith.muli %scan3A_521, %mul3A_526 : i32
      %swap3A = arith.index_cast %mul3A_527 : i32 to index
      %swap3A_528 = tpu.vector_load %arg18[%swap3A] {strides = array<i32>} : memref<4096xf32, #tpu.memory_space<vmem>>, vector<16xf32>,
      tpu.vector_store %arg18[%swap3A], %gather3A {strides = array<i32>} : memref<4096xf32, #tpu.memory_space<vmem>>, vector<16xf32>,
      %scan3A_529 = arith.constant 0 : i32
      scf.yield %scan3A_529 : i32
    }
    %scan3A_312 = arith.constant 256 : i32
    "tpu.region"() ({
      %run_scoped3A = tpu.sem_alloc : memref<!tpu.dma_semaphore, #tpu.memory_space<semaphore_mem>>
      %dma_start3A_521 = arith.constant 0 : i32
      %dma_start3A_522 = tpu.memref_slice %arg12[%add3A_211, %dma_start3A_521] : memref<64x4096xf32, #tpu.memory_space<hbm>> -> memref<1x4096xf32, #tpu.memory_space<hbm>>
      %dma_start3A_523 = tpu.memref_squeeze %dma_start3A_522 : memref<1x4096xf32, #tpu.memory_space<hbm>> -> memref<4096xf32, #tpu.memory_space<hbm>>
      %dma_start3A_524 = arith.constant 0 : i32
      %dma_start3A_525 = tpu.memref_slice %arg12[%add3A_211, %dma_start3A_524] : memref<64x4096xf32, #tpu.memory_space<hbm>> -> memref<1x4096xf32, #tpu.memory_space<hbm>>
      %dma_start3A_526 = tpu.memref_squeeze %dma_start3A_525 : memref<1x4096xf32, #tpu.memory_space<hbm>> -> memref<4096xf32, #tpu.memory_space<hbm>>
      tpu.enqueue_dma source(%arg18 : memref<4096xf32, #tpu.memory_space<vmem>>) target(%dma_start3A_526 : memref<4096xf32, #tpu.memory_space<hbm>>) target_semaphore(%run_scoped3A : memref<!tpu.dma_semaphore, #tpu.memory_space<semaphore_mem>>)
      %dma_wait3A_527 = arith.constant 0 : i32
      %dma_wait3A_528 = tpu.memref_slice %arg12[%add3A_211, %dma_wait3A_527] : memref<64x4096xf32, #tpu.memory_space<hbm>> -> memref<1x4096xf32, #tpu.memory_space<hbm>>
      %dma_wait3A_529 = tpu.memref_squeeze %dma_wait3A_528 : memref<1x4096xf32, #tpu.memory_space<hbm>> -> memref<4096xf32, #tpu.memory_space<hbm>>
      %dma_wait3A_530 = arith.constant 0 : i32
      %dma_wait3A_531 = tpu.memref_slice %arg12[%add3A_211, %dma_wait3A_530] : memref<64x4096xf32, #tpu.memory_space<hbm>> -> memref<1x4096xf32, #tpu.memory_space<hbm>>
      %dma_wait3A_532 = tpu.memref_squeeze %dma_wait3A_531 : memref<1x4096xf32, #tpu.memory_space<hbm>> -> memref<4096xf32, #tpu.memory_space<hbm>>
      tpu.wait_dma2 semaphore(%run_scoped3A : memref<!tpu.dma_semaphore, #tpu.memory_space<semaphore_mem>>) src(%arg18 : memref<4096xf32, #tpu.memory_space<vmem>>) dst(%dma_wait3A_532 : memref<4096xf32, #tpu.memory_space<hbm>>)
      tpu.yield
    }) : () -> ()
    %mul3A_313 = arith.constant 2 : i32
    %mul3A_314 = arith.muli %add3A, %mul3A_313 : i32
    %add3A_315 = arith.constant 1 : i32
    %add3A_316 = arith.addi %mul3A_314, %add3A_315 : i32
    %dma_start3A_317 = arith.constant 0 : i32
    %dma_start3A_318 = tpu.memref_slice %arg17[%dma_start3A_317] : memref<100000xf32, #tpu.memory_space<vmem>> -> memref<32768xf32, #tpu.memory_space<vmem>>
    %dma_start3A_319 = arith.constant 0 : i32
    %dma_start3A_320 = tpu.memref_slice %arg6[%add3A_316, %dma_start3A_319] : memref<64x100000xf32, #tpu.memory_space<hbm>> -> memref<1x32768xf32, #tpu.memory_space<hbm>>
    %dma_start3A_321 = tpu.memref_squeeze %dma_start3A_320 : memref<1x32768xf32, #tpu.memory_space<hbm>> -> memref<32768xf32, #tpu.memory_space<hbm>>
    %dma_start3A_322 = arith.constant 0 : i32
    %dma_start3A_323 = tpu.memref_slice %arg17[%dma_start3A_322] : memref<100000xf32, #tpu.memory_space<vmem>> -> memref<32768xf32, #tpu.memory_space<vmem>>
    %dma_start3A_324 = arith.constant 0 : i32
    %dma_start3A_325 = tpu.memref_slice %arg6[%add3A_316, %dma_start3A_324] : memref<64x100000xf32, #tpu.memory_space<hbm>> -> memref<1x32768xf32, #tpu.memory_space<hbm>>
    %dma_start3A_326 = tpu.memref_squeeze %dma_start3A_325 : memref<1x32768xf32, #tpu.memory_space<hbm>> -> memref<32768xf32, #tpu.memory_space<hbm>>
    tpu.enqueue_dma source(%dma_start3A_326 : memref<32768xf32, #tpu.memory_space<hbm>>) target(%dma_start3A_323 : memref<32768xf32, #tpu.memory_space<vmem>>) target_semaphore(%arg19 : memref<!tpu.dma_semaphore, #tpu.memory_space<semaphore_mem>>)
    %dma_start3A_327 = arith.constant 32768 : i32
    %dma_start3A_328 = tpu.memref_slice %arg17[%dma_start3A_327] : memref<100000xf32, #tpu.memory_space<vmem>> -> memref<32768xf32, #tpu.memory_space<vmem>>
    %dma_start3A_329 = arith.constant 32768 : i32
    %dma_start3A_330 = tpu.memref_slice %arg6[%add3A_316, %dma_start3A_329] : memref<64x100000xf32, #tpu.memory_space<hbm>> -> memref<1x32768xf32, #tpu.memory_space<hbm>>
    %dma_start3A_331 = tpu.memref_squeeze %dma_start3A_330 : memref<1x32768xf32, #tpu.memory_space<hbm>> -> memref<32768xf32, #tpu.memory_space<hbm>>
    %dma_start3A_332 = arith.constant 32768 : i32
    %dma_start3A_333 = tpu.memref_slice %arg17[%dma_start3A_332] : memref<100000xf32, #tpu.memory_space<vmem>> -> memref<32768xf32, #tpu.memory_space<vmem>>
    %dma_start3A_334 = arith.constant 32768 : i32
    %dma_start3A_335 = tpu.memref_slice %arg6[%add3A_316, %dma_start3A_334] : memref<64x100000xf32, #tpu.memory_space<hbm>> -> memref<1x32768xf32, #tpu.memory_space<hbm>>
    %dma_start3A_336 = tpu.memref_squeeze %dma_start3A_335 : memref<1x32768xf32, #tpu.memory_space<hbm>> -> memref<32768xf32, #tpu.memory_space<hbm>>
    tpu.enqueue_dma source(%dma_start3A_336 : memref<32768xf32, #tpu.memory_space<hbm>>) target(%dma_start3A_333 : memref<32768xf32, #tpu.memory_space<vmem>>) target_semaphore(%arg19 : memref<!tpu.dma_semaphore, #tpu.memory_space<semaphore_mem>>)
    %dma_start3A_337 = arith.constant 65536 : i32
    %dma_start3A_338 = tpu.memref_slice %arg17[%dma_start3A_337] : memref<100000xf32, #tpu.memory_space<vmem>> -> memref<32768xf32, #tpu.memory_space<vmem>>
    %dma_start3A_339 = arith.constant 65536 : i32
    %dma_start3A_340 = tpu.memref_slice %arg6[%add3A_316, %dma_start3A_339] : memref<64x100000xf32, #tpu.memory_space<hbm>> -> memref<1x32768xf32, #tpu.memory_space<hbm>>
    %dma_start3A_341 = tpu.memref_squeeze %dma_start3A_340 : memref<1x32768xf32, #tpu.memory_space<hbm>> -> memref<32768xf32, #tpu.memory_space<hbm>>
    %dma_start3A_342 = arith.constant 65536 : i32
    %dma_start3A_343 = tpu.memref_slice %arg17[%dma_start3A_342] : memref<100000xf32, #tpu.memory_space<vmem>> -> memref<32768xf32, #tpu.memory_space<vmem>>
    %dma_start3A_344 = arith.constant 65536 : i32
    %dma_start3A_345 = tpu.memref_slice %arg6[%add3A_316, %dma_start3A_344] : memref<64x100000xf32, #tpu.memory_space<hbm>> -> memref<1x32768xf32, #tpu.memory_space<hbm>>
    %dma_start3A_346 = tpu.memref_squeeze %dma_start3A_345 : memref<1x32768xf32, #tpu.memory_space<hbm>> -> memref<32768xf32, #tpu.memory_space<hbm>>
    tpu.enqueue_dma source(%dma_start3A_346 : memref<32768xf32, #tpu.memory_space<hbm>>) target(%dma_start3A_343 : memref<32768xf32, #tpu.memory_space<vmem>>) target_semaphore(%arg19 : memref<!tpu.dma_semaphore, #tpu.memory_space<semaphore_mem>>)
    %dma_start3A_347 = arith.constant 98304 : i32
    %dma_start3A_348 = tpu.memref_slice %arg17[%dma_start3A_347] : memref<100000xf32, #tpu.memory_space<vmem>> -> memref<1664xf32, #tpu.memory_space<vmem>>
    %dma_start3A_349 = arith.constant 98304 : i32
    %dma_start3A_350 = tpu.memref_slice %arg6[%add3A_316, %dma_start3A_349] : memref<64x100000xf32, #tpu.memory_space<hbm>> -> memref<1x1664xf32, #tpu.memory_space<hbm>>
    %dma_start3A_351 = tpu.memref_squeeze %dma_start3A_350 : memref<1x1664xf32, #tpu.memory_space<hbm>> -> memref<1664xf32, #tpu.memory_space<hbm>>
    %dma_start3A_352 = arith.constant 98304 : i32
    %dma_start3A_353 = tpu.memref_slice %arg17[%dma_start3A_352] : memref<100000xf32, #tpu.memory_space<vmem>> -> memref<1664xf32, #tpu.memory_space<vmem>>
    %dma_start3A_354 = arith.constant 98304 : i32
    %dma_start3A_355 = tpu.memref_slice %arg6[%add3A_316, %dma_start3A_354] : memref<64x100000xf32, #tpu.memory_space<hbm>> -> memref<1x1664xf32, #tpu.memory_space<hbm>>
    %dma_start3A_356 = tpu.memref_squeeze %dma_start3A_355 : memref<1x1664xf32, #tpu.memory_space<hbm>> -> memref<1664xf32, #tpu.memory_space<hbm>>
    tpu.enqueue_dma source(%dma_start3A_356 : memref<1664xf32, #tpu.memory_space<hbm>>) target(%dma_start3A_353 : memref<1664xf32, #tpu.memory_space<vmem>>) target_semaphore(%arg19 : memref<!tpu.dma_semaphore, #tpu.memory_space<semaphore_mem>>)
    %mul3A_357 = arith.constant 32 : i32
    %mul3A_358 = arith.muli %add3A_316, %mul3A_357 : i32
    %dma_start3A_359 = arith.constant 99968 : i32
    %dma_start3A_360 = tpu.memref_slice %arg17[%dma_start3A_359] : memref<100000xf32, #tpu.memory_space<vmem>> -> memref<32xf32, #tpu.memory_space<vmem>>
    %dma_start3A_361 = tpu.memref_slice %arg9[%mul3A_358] : memref<2048xf32, #tpu.memory_space<hbm>> -> memref<32xf32, #tpu.memory_space<hbm>>
    %dma_start3A_362 = arith.constant 99968 : i32
    %dma_start3A_363 = tpu.memref_slice %arg17[%dma_start3A_362] : memref<100000xf32, #tpu.memory_space<vmem>> -> memref<32xf32, #tpu.memory_space<vmem>>
    %dma_start3A_364 = tpu.memref_slice %arg9[%mul3A_358] : memref<2048xf32, #tpu.memory_space<hbm>> -> memref<32xf32, #tpu.memory_space<hbm>>
    tpu.enqueue_dma source(%dma_start3A_364 : memref<32xf32, #tpu.memory_space<hbm>>) target(%dma_start3A_363 : memref<32xf32, #tpu.memory_space<vmem>>) target_semaphore(%arg19 : memref<!tpu.dma_semaphore, #tpu.memory_space<semaphore_mem>>)
    %dma_wait3A_365 = arith.constant 0 : i32
    %dma_wait3A_366 = tpu.memref_slice %arg17[%dma_wait3A_365] : memref<100000xf32, #tpu.memory_space<vmem>> -> memref<32768xf32, #tpu.memory_space<vmem>>
    %dma_wait3A_367 = arith.constant 0 : i32
    %dma_wait3A_368 = tpu.memref_slice %arg6[%add3A_316, %dma_wait3A_367] : memref<64x100000xf32, #tpu.memory_space<hbm>> -> memref<1x32768xf32, #tpu.memory_space<hbm>>
    %dma_wait3A_369 = tpu.memref_squeeze %dma_wait3A_368 : memref<1x32768xf32, #tpu.memory_space<hbm>> -> memref<32768xf32, #tpu.memory_space<hbm>>
    %dma_wait3A_370 = arith.constant 0 : i32
    %dma_wait3A_371 = tpu.memref_slice %arg17[%dma_wait3A_370] : memref<100000xf32, #tpu.memory_space<vmem>> -> memref<32768xf32, #tpu.memory_space<vmem>>
    %dma_wait3A_372 = arith.constant 0 : i32
    %dma_wait3A_373 = tpu.memref_slice %arg6[%add3A_316, %dma_wait3A_372] : memref<64x100000xf32, #tpu.memory_space<hbm>> -> memref<1x32768xf32, #tpu.memory_space<hbm>>
    %dma_wait3A_374 = tpu.memref_squeeze %dma_wait3A_373 : memref<1x32768xf32, #tpu.memory_space<hbm>> -> memref<32768xf32, #tpu.memory_space<hbm>>
    tpu.wait_dma2 semaphore(%arg19 : memref<!tpu.dma_semaphore, #tpu.memory_space<semaphore_mem>>) src(%dma_wait3A_374 : memref<32768xf32, #tpu.memory_space<hbm>>) dst(%dma_wait3A_371 : memref<32768xf32, #tpu.memory_space<vmem>>)
    %dma_wait3A_375 = arith.constant 32768 : i32
    %dma_wait3A_376 = tpu.memref_slice %arg17[%dma_wait3A_375] : memref<100000xf32, #tpu.memory_space<vmem>> -> memref<32768xf32, #tpu.memory_space<vmem>>
    %dma_wait3A_377 = arith.constant 32768 : i32
    %dma_wait3A_378 = tpu.memref_slice %arg6[%add3A_316, %dma_wait3A_377] : memref<64x100000xf32, #tpu.memory_space<hbm>> -> memref<1x32768xf32, #tpu.memory_space<hbm>>
    %dma_wait3A_379 = tpu.memref_squeeze %dma_wait3A_378 : memref<1x32768xf32, #tpu.memory_space<hbm>> -> memref<32768xf32, #tpu.memory_space<hbm>>
    %dma_wait3A_380 = arith.constant 32768 : i32
    %dma_wait3A_381 = tpu.memref_slice %arg17[%dma_wait3A_380] : memref<100000xf32, #tpu.memory_space<vmem>> -> memref<32768xf32, #tpu.memory_space<vmem>>
    %dma_wait3A_382 = arith.constant 32768 : i32
    %dma_wait3A_383 = tpu.memref_slice %arg6[%add3A_316, %dma_wait3A_382] : memref<64x100000xf32, #tpu.memory_space<hbm>> -> memref<1x32768xf32, #tpu.memory_space<hbm>>
    %dma_wait3A_384 = tpu.memref_squeeze %dma_wait3A_383 : memref<1x32768xf32, #tpu.memory_space<hbm>> -> memref<32768xf32, #tpu.memory_space<hbm>>
    tpu.wait_dma2 semaphore(%arg19 : memref<!tpu.dma_semaphore, #tpu.memory_space<semaphore_mem>>) src(%dma_wait3A_384 : memref<32768xf32, #tpu.memory_space<hbm>>) dst(%dma_wait3A_381 : memref<32768xf32, #tpu.memory_space<vmem>>)
    %dma_wait3A_385 = arith.constant 65536 : i32
    %dma_wait3A_386 = tpu.memref_slice %arg17[%dma_wait3A_385] : memref<100000xf32, #tpu.memory_space<vmem>> -> memref<32768xf32, #tpu.memory_space<vmem>>
    %dma_wait3A_387 = arith.constant 65536 : i32
    %dma_wait3A_388 = tpu.memref_slice %arg6[%add3A_316, %dma_wait3A_387] : memref<64x100000xf32, #tpu.memory_space<hbm>> -> memref<1x32768xf32, #tpu.memory_space<hbm>>
    %dma_wait3A_389 = tpu.memref_squeeze %dma_wait3A_388 : memref<1x32768xf32, #tpu.memory_space<hbm>> -> memref<32768xf32, #tpu.memory_space<hbm>>
    %dma_wait3A_390 = arith.constant 65536 : i32
    %dma_wait3A_391 = tpu.memref_slice %arg17[%dma_wait3A_390] : memref<100000xf32, #tpu.memory_space<vmem>> -> memref<32768xf32, #tpu.memory_space<vmem>>
    %dma_wait3A_392 = arith.constant 65536 : i32
    %dma_wait3A_393 = tpu.memref_slice %arg6[%add3A_316, %dma_wait3A_392] : memref<64x100000xf32, #tpu.memory_space<hbm>> -> memref<1x32768xf32, #tpu.memory_space<hbm>>
    %dma_wait3A_394 = tpu.memref_squeeze %dma_wait3A_393 : memref<1x32768xf32, #tpu.memory_space<hbm>> -> memref<32768xf32, #tpu.memory_space<hbm>>
    tpu.wait_dma2 semaphore(%arg19 : memref<!tpu.dma_semaphore, #tpu.memory_space<semaphore_mem>>) src(%dma_wait3A_394 : memref<32768xf32, #tpu.memory_space<hbm>>) dst(%dma_wait3A_391 : memref<32768xf32, #tpu.memory_space<vmem>>)
    %dma_wait3A_395 = arith.constant 98304 : i32
    %dma_wait3A_396 = tpu.memref_slice %arg17[%dma_wait3A_395] : memref<100000xf32, #tpu.memory_space<vmem>> -> memref<1664xf32, #tpu.memory_space<vmem>>
    %dma_wait3A_397 = arith.constant 98304 : i32
    %dma_wait3A_398 = tpu.memref_slice %arg6[%add3A_316, %dma_wait3A_397] : memref<64x100000xf32, #tpu.memory_space<hbm>> -> memref<1x1664xf32, #tpu.memory_space<hbm>>
    %dma_wait3A_399 = tpu.memref_squeeze %dma_wait3A_398 : memref<1x1664xf32, #tpu.memory_space<hbm>> -> memref<1664xf32, #tpu.memory_space<hbm>>
    %dma_wait3A_400 = arith.constant 98304 : i32
    %dma_wait3A_401 = tpu.memref_slice %arg17[%dma_wait3A_400] : memref<100000xf32, #tpu.memory_space<vmem>> -> memref<1664xf32, #tpu.memory_space<vmem>>
    %dma_wait3A_402 = arith.constant 98304 : i32
    %dma_wait3A_403 = tpu.memref_slice %arg6[%add3A_316, %dma_wait3A_402] : memref<64x100000xf32, #tpu.memory_space<hbm>> -> memref<1x1664xf32, #tpu.memory_space<hbm>>
    %dma_wait3A_404 = tpu.memref_squeeze %dma_wait3A_403 : memref<1x1664xf32, #tpu.memory_space<hbm>> -> memref<1664xf32, #tpu.memory_space<hbm>>
    tpu.wait_dma2 semaphore(%arg19 : memref<!tpu.dma_semaphore, #tpu.memory_space<semaphore_mem>>) src(%dma_wait3A_404 : memref<1664xf32, #tpu.memory_space<hbm>>) dst(%dma_wait3A_401 : memref<1664xf32, #tpu.memory_space<vmem>>)
    %dma_wait3A_405 = arith.constant 99968 : i32
    %dma_wait3A_406 = tpu.memref_slice %arg17[%dma_wait3A_405] : memref<100000xf32, #tpu.memory_space<vmem>> -> memref<32xf32, #tpu.memory_space<vmem>>
    %dma_wait3A_407 = tpu.memref_slice %arg9[%mul3A_358] : memref<2048xf32, #tpu.memory_space<hbm>> -> memref<32xf32, #tpu.memory_space<hbm>>
    %dma_wait3A_408 = arith.constant 99968 : i32
    %dma_wait3A_409 = tpu.memref_slice %arg17[%dma_wait3A_408] : memref<100000xf32, #tpu.memory_space<vmem>> -> memref<32xf32, #tpu.memory_space<vmem>>
    %dma_wait3A_410 = tpu.memref_slice %arg9[%mul3A_358] : memref<2048xf32, #tpu.memory_space<hbm>> -> memref<32xf32, #tpu.memory_space<hbm>>
    tpu.wait_dma2 semaphore(%arg19 : memref<!tpu.dma_semaphore, #tpu.memory_space<semaphore_mem>>) src(%dma_wait3A_410 : memref<32xf32, #tpu.memory_space<hbm>>) dst(%dma_wait3A_409 : memref<32xf32, #tpu.memory_space<vmem>>)
    %scan3A_411 = arith.constant 0 : i32
    %scan3A_412 = arith.constant 0 : i32
    %scan3A_413 = arith.constant 256 : i32
    %scan3A_414 = arith.addi %scan3A_412, %scan3A_413 : i32
    %scan3A_415 = arith.constant 1 : i32
    %scan3A_416 = scf.for %scan3A_521 = %scan3A_412 to %scan3A_414 step %scan3A_415 iter_args(%scan3A_522 = %scan3A_411) -> (i32)  : i32 {
      %mul3A_523 = arith.constant 16 : i32
      %mul3A_524 = arith.muli %scan3A_521, %mul3A_523 : i32
      %get3A = arith.index_cast %mul3A_524 : i32 to index
      %get3A_525 = tpu.vector_load %arg16[%get3A] {strides = array<i32>} : memref<4096xi32, #tpu.memory_space<vmem>>, vector<16xi32>,
      %gather3A = tpu.vector_load_idx %arg17[%get3A_525] : memref<100000xf32, #tpu.memory_space<vmem>>[vector<16xi32>], vector<16xf32>,
      %mul3A_526 = arith.constant 16 : i32
      %mul3A_527 = arith.muli %scan3A_521, %mul3A_526 : i32
      %swap3A = arith.index_cast %mul3A_527 : i32 to index
      %swap3A_528 = tpu.vector_load %arg18[%swap3A] {strides = array<i32>} : memref<4096xf32, #tpu.memory_space<vmem>>, vector<16xf32>,
      tpu.vector_store %arg18[%swap3A], %gather3A {strides = array<i32>} : memref<4096xf32, #tpu.memory_space<vmem>>, vector<16xf32>,
      %scan3A_529 = arith.constant 0 : i32
      scf.yield %scan3A_529 : i32
    }
    %scan3A_417 = arith.constant 256 : i32
    "tpu.region"() ({
      %run_scoped3A = tpu.sem_alloc : memref<!tpu.dma_semaphore, #tpu.memory_space<semaphore_mem>>
      %dma_start3A_521 = arith.constant 0 : i32
      %dma_start3A_522 = tpu.memref_slice %arg12[%add3A_316, %dma_start3A_521] : memref<64x4096xf32, #tpu.memory_space<hbm>> -> memref<1x4096xf32, #tpu.memory_space<hbm>>
      %dma_start3A_523 = tpu.memref_squeeze %dma_start3A_522 : memref<1x4096xf32, #tpu.memory_space<hbm>> -> memref<4096xf32, #tpu.memory_space<hbm>>
      %dma_start3A_524 = arith.constant 0 : i32
      %dma_start3A_525 = tpu.memref_slice %arg12[%add3A_316, %dma_start3A_524] : memref<64x4096xf32, #tpu.memory_space<hbm>> -> memref<1x4096xf32, #tpu.memory_space<hbm>>
      %dma_start3A_526 = tpu.memref_squeeze %dma_start3A_525 : memref<1x4096xf32, #tpu.memory_space<hbm>> -> memref<4096xf32, #tpu.memory_space<hbm>>
      tpu.enqueue_dma source(%arg18 : memref<4096xf32, #tpu.memory_space<vmem>>) target(%dma_start3A_526 : memref<4096xf32, #tpu.memory_space<hbm>>) target_semaphore(%run_scoped3A : memref<!tpu.dma_semaphore, #tpu.memory_space<semaphore_mem>>)
      %dma_wait3A_527 = arith.constant 0 : i32
      %dma_wait3A_528 = tpu.memref_slice %arg12[%add3A_316, %dma_wait3A_527] : memref<64x4096xf32, #tpu.memory_space<hbm>> -> memref<1x4096xf32, #tpu.memory_space<hbm>>
      %dma_wait3A_529 = tpu.memref_squeeze %dma_wait3A_528 : memref<1x4096xf32, #tpu.memory_space<hbm>> -> memref<4096xf32, #tpu.memory_space<hbm>>
      %dma_wait3A_530 = arith.constant 0 : i32
      %dma_wait3A_531 = tpu.memref_slice %arg12[%add3A_316, %dma_wait3A_530] : memref<64x4096xf32, #tpu.memory_space<hbm>> -> memref<1x4096xf32, #tpu.memory_space<hbm>>
      %dma_wait3A_532 = tpu.memref_squeeze %dma_wait3A_531 : memref<1x4096xf32, #tpu.memory_space<hbm>> -> memref<4096xf32, #tpu.memory_space<hbm>>
      tpu.wait_dma2 semaphore(%run_scoped3A : memref<!tpu.dma_semaphore, #tpu.memory_space<semaphore_mem>>) src(%arg18 : memref<4096xf32, #tpu.memory_space<vmem>>) dst(%dma_wait3A_532 : memref<4096xf32, #tpu.memory_space<hbm>>)
      tpu.yield
    }) : () -> ()
    %dma_start3A_418 = arith.constant 0 : i32
    %dma_start3A_419 = tpu.memref_slice %arg17[%dma_start3A_418] : memref<100000xf32, #tpu.memory_space<vmem>> -> memref<32768xf32, #tpu.memory_space<vmem>>
    %dma_start3A_420 = arith.constant 0 : i32
    %dma_start3A_421 = tpu.memref_slice %arg7[%add3A, %dma_start3A_420] : memref<32x100000xf32, #tpu.memory_space<hbm>> -> memref<1x32768xf32, #tpu.memory_space<hbm>>
    %dma_start3A_422 = tpu.memref_squeeze %dma_start3A_421 : memref<1x32768xf32, #tpu.memory_space<hbm>> -> memref<32768xf32, #tpu.memory_space<hbm>>
    %dma_start3A_423 = arith.constant 0 : i32
    %dma_start3A_424 = tpu.memref_slice %arg17[%dma_start3A_423] : memref<100000xf32, #tpu.memory_space<vmem>> -> memref<32768xf32, #tpu.memory_space<vmem>>
    %dma_start3A_425 = arith.constant 0 : i32
    %dma_start3A_426 = tpu.memref_slice %arg7[%add3A, %dma_start3A_425] : memref<32x100000xf32, #tpu.memory_space<hbm>> -> memref<1x32768xf32, #tpu.memory_space<hbm>>
    %dma_start3A_427 = tpu.memref_squeeze %dma_start3A_426 : memref<1x32768xf32, #tpu.memory_space<hbm>> -> memref<32768xf32, #tpu.memory_space<hbm>>
    tpu.enqueue_dma source(%dma_start3A_427 : memref<32768xf32, #tpu.memory_space<hbm>>) target(%dma_start3A_424 : memref<32768xf32, #tpu.memory_space<vmem>>) target_semaphore(%arg19 : memref<!tpu.dma_semaphore, #tpu.memory_space<semaphore_mem>>)
    %dma_start3A_428 = arith.constant 32768 : i32
    %dma_start3A_429 = tpu.memref_slice %arg17[%dma_start3A_428] : memref<100000xf32, #tpu.memory_space<vmem>> -> memref<32768xf32, #tpu.memory_space<vmem>>
    %dma_start3A_430 = arith.constant 32768 : i32
    %dma_start3A_431 = tpu.memref_slice %arg7[%add3A, %dma_start3A_430] : memref<32x100000xf32, #tpu.memory_space<hbm>> -> memref<1x32768xf32, #tpu.memory_space<hbm>>
    %dma_start3A_432 = tpu.memref_squeeze %dma_start3A_431 : memref<1x32768xf32, #tpu.memory_space<hbm>> -> memref<32768xf32, #tpu.memory_space<hbm>>
    %dma_start3A_433 = arith.constant 32768 : i32
    %dma_start3A_434 = tpu.memref_slice %arg17[%dma_start3A_433] : memref<100000xf32, #tpu.memory_space<vmem>> -> memref<32768xf32, #tpu.memory_space<vmem>>
    %dma_start3A_435 = arith.constant 32768 : i32
    %dma_start3A_436 = tpu.memref_slice %arg7[%add3A, %dma_start3A_435] : memref<32x100000xf32, #tpu.memory_space<hbm>> -> memref<1x32768xf32, #tpu.memory_space<hbm>>
    %dma_start3A_437 = tpu.memref_squeeze %dma_start3A_436 : memref<1x32768xf32, #tpu.memory_space<hbm>> -> memref<32768xf32, #tpu.memory_space<hbm>>
    tpu.enqueue_dma source(%dma_start3A_437 : memref<32768xf32, #tpu.memory_space<hbm>>) target(%dma_start3A_434 : memref<32768xf32, #tpu.memory_space<vmem>>) target_semaphore(%arg19 : memref<!tpu.dma_semaphore, #tpu.memory_space<semaphore_mem>>)
    %dma_start3A_438 = arith.constant 65536 : i32
    %dma_start3A_439 = tpu.memref_slice %arg17[%dma_start3A_438] : memref<100000xf32, #tpu.memory_space<vmem>> -> memref<32768xf32, #tpu.memory_space<vmem>>
    %dma_start3A_440 = arith.constant 65536 : i32
    %dma_start3A_441 = tpu.memref_slice %arg7[%add3A, %dma_start3A_440] : memref<32x100000xf32, #tpu.memory_space<hbm>> -> memref<1x32768xf32, #tpu.memory_space<hbm>>
    %dma_start3A_442 = tpu.memref_squeeze %dma_start3A_441 : memref<1x32768xf32, #tpu.memory_space<hbm>> -> memref<32768xf32, #tpu.memory_space<hbm>>
    %dma_start3A_443 = arith.constant 65536 : i32
    %dma_start3A_444 = tpu.memref_slice %arg17[%dma_start3A_443] : memref<100000xf32, #tpu.memory_space<vmem>> -> memref<32768xf32, #tpu.memory_space<vmem>>
    %dma_start3A_445 = arith.constant 65536 : i32
    %dma_start3A_446 = tpu.memref_slice %arg7[%add3A, %dma_start3A_445] : memref<32x100000xf32, #tpu.memory_space<hbm>> -> memref<1x32768xf32, #tpu.memory_space<hbm>>
    %dma_start3A_447 = tpu.memref_squeeze %dma_start3A_446 : memref<1x32768xf32, #tpu.memory_space<hbm>> -> memref<32768xf32, #tpu.memory_space<hbm>>
    tpu.enqueue_dma source(%dma_start3A_447 : memref<32768xf32, #tpu.memory_space<hbm>>) target(%dma_start3A_444 : memref<32768xf32, #tpu.memory_space<vmem>>) target_semaphore(%arg19 : memref<!tpu.dma_semaphore, #tpu.memory_space<semaphore_mem>>)
    %dma_start3A_448 = arith.constant 98304 : i32
    %dma_start3A_449 = tpu.memref_slice %arg17[%dma_start3A_448] : memref<100000xf32, #tpu.memory_space<vmem>> -> memref<1664xf32, #tpu.memory_space<vmem>>
    %dma_start3A_450 = arith.constant 98304 : i32
    %dma_start3A_451 = tpu.memref_slice %arg7[%add3A, %dma_start3A_450] : memref<32x100000xf32, #tpu.memory_space<hbm>> -> memref<1x1664xf32, #tpu.memory_space<hbm>>
    %dma_start3A_452 = tpu.memref_squeeze %dma_start3A_451 : memref<1x1664xf32, #tpu.memory_space<hbm>> -> memref<1664xf32, #tpu.memory_space<hbm>>
    %dma_start3A_453 = arith.constant 98304 : i32
    %dma_start3A_454 = tpu.memref_slice %arg17[%dma_start3A_453] : memref<100000xf32, #tpu.memory_space<vmem>> -> memref<1664xf32, #tpu.memory_space<vmem>>
    %dma_start3A_455 = arith.constant 98304 : i32
    %dma_start3A_456 = tpu.memref_slice %arg7[%add3A, %dma_start3A_455] : memref<32x100000xf32, #tpu.memory_space<hbm>> -> memref<1x1664xf32, #tpu.memory_space<hbm>>
    %dma_start3A_457 = tpu.memref_squeeze %dma_start3A_456 : memref<1x1664xf32, #tpu.memory_space<hbm>> -> memref<1664xf32, #tpu.memory_space<hbm>>
    tpu.enqueue_dma source(%dma_start3A_457 : memref<1664xf32, #tpu.memory_space<hbm>>) target(%dma_start3A_454 : memref<1664xf32, #tpu.memory_space<vmem>>) target_semaphore(%arg19 : memref<!tpu.dma_semaphore, #tpu.memory_space<semaphore_mem>>)
    %mul3A_458 = arith.constant 32 : i32
    %mul3A_459 = arith.muli %add3A, %mul3A_458 : i32
    %dma_start3A_460 = arith.constant 99968 : i32
    %dma_start3A_461 = tpu.memref_slice %arg17[%dma_start3A_460] : memref<100000xf32, #tpu.memory_space<vmem>> -> memref<32xf32, #tpu.memory_space<vmem>>
    %dma_start3A_462 = tpu.memref_slice %arg10[%mul3A_459] : memref<1024xf32, #tpu.memory_space<hbm>> -> memref<32xf32, #tpu.memory_space<hbm>>
    %dma_start3A_463 = arith.constant 99968 : i32
    %dma_start3A_464 = tpu.memref_slice %arg17[%dma_start3A_463] : memref<100000xf32, #tpu.memory_space<vmem>> -> memref<32xf32, #tpu.memory_space<vmem>>
    %dma_start3A_465 = tpu.memref_slice %arg10[%mul3A_459] : memref<1024xf32, #tpu.memory_space<hbm>> -> memref<32xf32, #tpu.memory_space<hbm>>
    tpu.enqueue_dma source(%dma_start3A_465 : memref<32xf32, #tpu.memory_space<hbm>>) target(%dma_start3A_464 : memref<32xf32, #tpu.memory_space<vmem>>) target_semaphore(%arg19 : memref<!tpu.dma_semaphore, #tpu.memory_space<semaphore_mem>>)
    %dma_wait3A_466 = arith.constant 0 : i32
    %dma_wait3A_467 = tpu.memref_slice %arg17[%dma_wait3A_466] : memref<100000xf32, #tpu.memory_space<vmem>> -> memref<32768xf32, #tpu.memory_space<vmem>>
    %dma_wait3A_468 = arith.constant 0 : i32
    %dma_wait3A_469 = tpu.memref_slice %arg7[%add3A, %dma_wait3A_468] : memref<32x100000xf32, #tpu.memory_space<hbm>> -> memref<1x32768xf32, #tpu.memory_space<hbm>>
    %dma_wait3A_470 = tpu.memref_squeeze %dma_wait3A_469 : memref<1x32768xf32, #tpu.memory_space<hbm>> -> memref<32768xf32, #tpu.memory_space<hbm>>
    %dma_wait3A_471 = arith.constant 0 : i32
    %dma_wait3A_472 = tpu.memref_slice %arg17[%dma_wait3A_471] : memref<100000xf32, #tpu.memory_space<vmem>> -> memref<32768xf32, #tpu.memory_space<vmem>>
    %dma_wait3A_473 = arith.constant 0 : i32
    %dma_wait3A_474 = tpu.memref_slice %arg7[%add3A, %dma_wait3A_473] : memref<32x100000xf32, #tpu.memory_space<hbm>> -> memref<1x32768xf32, #tpu.memory_space<hbm>>
    %dma_wait3A_475 = tpu.memref_squeeze %dma_wait3A_474 : memref<1x32768xf32, #tpu.memory_space<hbm>> -> memref<32768xf32, #tpu.memory_space<hbm>>
    tpu.wait_dma2 semaphore(%arg19 : memref<!tpu.dma_semaphore, #tpu.memory_space<semaphore_mem>>) src(%dma_wait3A_475 : memref<32768xf32, #tpu.memory_space<hbm>>) dst(%dma_wait3A_472 : memref<32768xf32, #tpu.memory_space<vmem>>)
    %dma_wait3A_476 = arith.constant 32768 : i32
    %dma_wait3A_477 = tpu.memref_slice %arg17[%dma_wait3A_476] : memref<100000xf32, #tpu.memory_space<vmem>> -> memref<32768xf32, #tpu.memory_space<vmem>>
    %dma_wait3A_478 = arith.constant 32768 : i32
    %dma_wait3A_479 = tpu.memref_slice %arg7[%add3A, %dma_wait3A_478] : memref<32x100000xf32, #tpu.memory_space<hbm>> -> memref<1x32768xf32, #tpu.memory_space<hbm>>
    %dma_wait3A_480 = tpu.memref_squeeze %dma_wait3A_479 : memref<1x32768xf32, #tpu.memory_space<hbm>> -> memref<32768xf32, #tpu.memory_space<hbm>>
    %dma_wait3A_481 = arith.constant 32768 : i32
    %dma_wait3A_482 = tpu.memref_slice %arg17[%dma_wait3A_481] : memref<100000xf32, #tpu.memory_space<vmem>> -> memref<32768xf32, #tpu.memory_space<vmem>>
    %dma_wait3A_483 = arith.constant 32768 : i32
    %dma_wait3A_484 = tpu.memref_slice %arg7[%add3A, %dma_wait3A_483] : memref<32x100000xf32, #tpu.memory_space<hbm>> -> memref<1x32768xf32, #tpu.memory_space<hbm>>
    %dma_wait3A_485 = tpu.memref_squeeze %dma_wait3A_484 : memref<1x32768xf32, #tpu.memory_space<hbm>> -> memref<32768xf32, #tpu.memory_space<hbm>>
    tpu.wait_dma2 semaphore(%arg19 : memref<!tpu.dma_semaphore, #tpu.memory_space<semaphore_mem>>) src(%dma_wait3A_485 : memref<32768xf32, #tpu.memory_space<hbm>>) dst(%dma_wait3A_482 : memref<32768xf32, #tpu.memory_space<vmem>>)
    %dma_wait3A_486 = arith.constant 65536 : i32
    %dma_wait3A_487 = tpu.memref_slice %arg17[%dma_wait3A_486] : memref<100000xf32, #tpu.memory_space<vmem>> -> memref<32768xf32, #tpu.memory_space<vmem>>
    %dma_wait3A_488 = arith.constant 65536 : i32
    %dma_wait3A_489 = tpu.memref_slice %arg7[%add3A, %dma_wait3A_488] : memref<32x100000xf32, #tpu.memory_space<hbm>> -> memref<1x32768xf32, #tpu.memory_space<hbm>>
    %dma_wait3A_490 = tpu.memref_squeeze %dma_wait3A_489 : memref<1x32768xf32, #tpu.memory_space<hbm>> -> memref<32768xf32, #tpu.memory_space<hbm>>
    %dma_wait3A_491 = arith.constant 65536 : i32
    %dma_wait3A_492 = tpu.memref_slice %arg17[%dma_wait3A_491] : memref<100000xf32, #tpu.memory_space<vmem>> -> memref<32768xf32, #tpu.memory_space<vmem>>
    %dma_wait3A_493 = arith.constant 65536 : i32
    %dma_wait3A_494 = tpu.memref_slice %arg7[%add3A, %dma_wait3A_493] : memref<32x100000xf32, #tpu.memory_space<hbm>> -> memref<1x32768xf32, #tpu.memory_space<hbm>>
    %dma_wait3A_495 = tpu.memref_squeeze %dma_wait3A_494 : memref<1x32768xf32, #tpu.memory_space<hbm>> -> memref<32768xf32, #tpu.memory_space<hbm>>
    tpu.wait_dma2 semaphore(%arg19 : memref<!tpu.dma_semaphore, #tpu.memory_space<semaphore_mem>>) src(%dma_wait3A_495 : memref<32768xf32, #tpu.memory_space<hbm>>) dst(%dma_wait3A_492 : memref<32768xf32, #tpu.memory_space<vmem>>)
    %dma_wait3A_496 = arith.constant 98304 : i32
    %dma_wait3A_497 = tpu.memref_slice %arg17[%dma_wait3A_496] : memref<100000xf32, #tpu.memory_space<vmem>> -> memref<1664xf32, #tpu.memory_space<vmem>>
    %dma_wait3A_498 = arith.constant 98304 : i32
    %dma_wait3A_499 = tpu.memref_slice %arg7[%add3A, %dma_wait3A_498] : memref<32x100000xf32, #tpu.memory_space<hbm>> -> memref<1x1664xf32, #tpu.memory_space<hbm>>
    %dma_wait3A_500 = tpu.memref_squeeze %dma_wait3A_499 : memref<1x1664xf32, #tpu.memory_space<hbm>> -> memref<1664xf32, #tpu.memory_space<hbm>>
    %dma_wait3A_501 = arith.constant 98304 : i32
    %dma_wait3A_502 = tpu.memref_slice %arg17[%dma_wait3A_501] : memref<100000xf32, #tpu.memory_space<vmem>> -> memref<1664xf32, #tpu.memory_space<vmem>>
    %dma_wait3A_503 = arith.constant 98304 : i32
    %dma_wait3A_504 = tpu.memref_slice %arg7[%add3A, %dma_wait3A_503] : memref<32x100000xf32, #tpu.memory_space<hbm>> -> memref<1x1664xf32, #tpu.memory_space<hbm>>
    %dma_wait3A_505 = tpu.memref_squeeze %dma_wait3A_504 : memref<1x1664xf32, #tpu.memory_space<hbm>> -> memref<1664xf32, #tpu.memory_space<hbm>>
    tpu.wait_dma2 semaphore(%arg19 : memref<!tpu.dma_semaphore, #tpu.memory_space<semaphore_mem>>) src(%dma_wait3A_505 : memref<1664xf32, #tpu.memory_space<hbm>>) dst(%dma_wait3A_502 : memref<1664xf32, #tpu.memory_space<vmem>>)
    %dma_wait3A_506 = arith.constant 99968 : i32
    %dma_wait3A_507 = tpu.memref_slice %arg17[%dma_wait3A_506] : memref<100000xf32, #tpu.memory_space<vmem>> -> memref<32xf32, #tpu.memory_space<vmem>>
    %dma_wait3A_508 = tpu.memref_slice %arg10[%mul3A_459] : memref<1024xf32, #tpu.memory_space<hbm>> -> memref<32xf32, #tpu.memory_space<hbm>>
    %dma_wait3A_509 = arith.constant 99968 : i32
    %dma_wait3A_510 = tpu.memref_slice %arg17[%dma_wait3A_509] : memref<100000xf32, #tpu.memory_space<vmem>> -> memref<32xf32, #tpu.memory_space<vmem>>
    %dma_wait3A_511 = tpu.memref_slice %arg10[%mul3A_459] : memref<1024xf32, #tpu.memory_space<hbm>> -> memref<32xf32, #tpu.memory_space<hbm>>
    tpu.wait_dma2 semaphore(%arg19 : memref<!tpu.dma_semaphore, #tpu.memory_space<semaphore_mem>>) src(%dma_wait3A_511 : memref<32xf32, #tpu.memory_space<hbm>>) dst(%dma_wait3A_510 : memref<32xf32, #tpu.memory_space<vmem>>)
    %scan3A_512 = arith.constant 0 : i32
    %scan3A_513 = arith.constant 0 : i32
    %scan3A_514 = arith.constant 256 : i32
    %scan3A_515 = arith.addi %scan3A_513, %scan3A_514 : i32
    %scan3A_516 = arith.constant 1 : i32
    %scan3A_517 = scf.for %scan3A_521 = %scan3A_513 to %scan3A_515 step %scan3A_516 iter_args(%scan3A_522 = %scan3A_512) -> (i32)  : i32 {
      %mul3A_523 = arith.constant 16 : i32
      %mul3A_524 = arith.muli %scan3A_521, %mul3A_523 : i32
      %get3A = arith.index_cast %mul3A_524 : i32 to index
      %get3A_525 = tpu.vector_load %arg15[%get3A] {strides = array<i32>} : memref<4096xi32, #tpu.memory_space<vmem>>, vector<16xi32>,
      %gather3A = tpu.vector_load_idx %arg17[%get3A_525] : memref<100000xf32, #tpu.memory_space<vmem>>[vector<16xi32>], vector<16xf32>,
      %mul3A_526 = arith.constant 16 : i32
      %mul3A_527 = arith.muli %scan3A_521, %mul3A_526 : i32
      %swap3A = arith.index_cast %mul3A_527 : i32 to index
      %swap3A_528 = tpu.vector_load %arg18[%swap3A] {strides = array<i32>} : memref<4096xf32, #tpu.memory_space<vmem>>, vector<16xf32>,
      tpu.vector_store %arg18[%swap3A], %gather3A {strides = array<i32>} : memref<4096xf32, #tpu.memory_space<vmem>>, vector<16xf32>,
      %scan3A_529 = arith.constant 0 : i32
      scf.yield %scan3A_529 : i32
    }
    %scan3A_518 = arith.constant 256 : i32
    "tpu.region"() ({
      %run_scoped3A = tpu.sem_alloc : memref<!tpu.dma_semaphore, #tpu.memory_space<semaphore_mem>>
      %dma_start3A_521 = arith.constant 0 : i32
      %dma_start3A_522 = tpu.memref_slice %arg13[%add3A, %dma_start3A_521] : memref<32x4096xf32, #tpu.memory_space<hbm>> -> memref<1x4096xf32, #tpu.memory_space<hbm>>
      %dma_start3A_523 = tpu.memref_squeeze %dma_start3A_522 : memref<1x4096xf32, #tpu.memory_space<hbm>> -> memref<4096xf32, #tpu.memory_space<hbm>>
      %dma_start3A_524 = arith.constant 0 : i32
      %dma_start3A_525 = tpu.memref_slice %arg13[%add3A, %dma_start3A_524] : memref<32x4096xf32, #tpu.memory_space<hbm>> -> memref<1x4096xf32, #tpu.memory_space<hbm>>
      %dma_start3A_526 = tpu.memref_squeeze %dma_start3A_525 : memref<1x4096xf32, #tpu.memory_space<hbm>> -> memref<4096xf32, #tpu.memory_space<hbm>>
      tpu.enqueue_dma source(%arg18 : memref<4096xf32, #tpu.memory_space<vmem>>) target(%dma_start3A_526 : memref<4096xf32, #tpu.memory_space<hbm>>) target_semaphore(%run_scoped3A : memref<!tpu.dma_semaphore, #tpu.memory_space<semaphore_mem>>)
      %dma_wait3A_527 = arith.constant 0 : i32
      %dma_wait3A_528 = tpu.memref_slice %arg13[%add3A, %dma_wait3A_527] : memref<32x4096xf32, #tpu.memory_space<hbm>> -> memref<1x4096xf32, #tpu.memory_space<hbm>>
      %dma_wait3A_529 = tpu.memref_squeeze %dma_wait3A_528 : memref<1x4096xf32, #tpu.memory_space<hbm>> -> memref<4096xf32, #tpu.memory_space<hbm>>
      %dma_wait3A_530 = arith.constant 0 : i32
      %dma_wait3A_531 = tpu.memref_slice %arg13[%add3A, %dma_wait3A_530] : memref<32x4096xf32, #tpu.memory_space<hbm>> -> memref<1x4096xf32, #tpu.memory_space<hbm>>
      %dma_wait3A_532 = tpu.memref_squeeze %dma_wait3A_531 : memref<1x4096xf32, #tpu.memory_space<hbm>> -> memref<4096xf32, #tpu.memory_space<hbm>>
      tpu.wait_dma2 semaphore(%run_scoped3A : memref<!tpu.dma_semaphore, #tpu.memory_space<semaphore_mem>>) src(%arg18 : memref<4096xf32, #tpu.memory_space<vmem>>) dst(%dma_wait3A_532 : memref<4096xf32, #tpu.memory_space<hbm>>)
      tpu.yield
    }) : () -> ()
    %ge3A = arith.constant 24 : i32
    %ge3A_519 = arith.cmpi sge, %add3A, %ge3A : i32
    %convert_element_type3A = arith.extui %ge3A_519 : i1 to i32
    %cond3A = arith.constant 0 : i32
    %cond3A_520 = arith.cmpi ne, %convert_element_type3A, %cond3A : i32
    scf.if %cond3A_520 {
      %dma_start3A_521 = arith.constant 0 : i32
      %dma_start3A_522 = tpu.memref_slice %arg17[%dma_start3A_521] : memref<100000xf32, #tpu.memory_space<vmem>> -> memref<32768xf32, #tpu.memory_space<vmem>>
      %dma_start3A_523 = arith.constant 0 : i32
      %dma_start3A_524 = tpu.memref_slice %arg4[%dma_start3A_523] : memref<100000xf32, #tpu.memory_space<hbm>> -> memref<32768xf32, #tpu.memory_space<hbm>>
      %dma_start3A_525 = arith.constant 0 : i32
      %dma_start3A_526 = tpu.memref_slice %arg17[%dma_start3A_525] : memref<100000xf32, #tpu.memory_space<vmem>> -> memref<32768xf32, #tpu.memory_space<vmem>>
      %dma_start3A_527 = arith.constant 0 : i32
      %dma_start3A_528 = tpu.memref_slice %arg4[%dma_start3A_527] : memref<100000xf32, #tpu.memory_space<hbm>> -> memref<32768xf32, #tpu.memory_space<hbm>>
      tpu.enqueue_dma source(%dma_start3A_528 : memref<32768xf32, #tpu.memory_space<hbm>>) target(%dma_start3A_526 : memref<32768xf32, #tpu.memory_space<vmem>>) target_semaphore(%arg19 : memref<!tpu.dma_semaphore, #tpu.memory_space<semaphore_mem>>)
      %dma_start3A_529 = arith.constant 32768 : i32
      %dma_start3A_530 = tpu.memref_slice %arg17[%dma_start3A_529] : memref<100000xf32, #tpu.memory_space<vmem>> -> memref<32768xf32, #tpu.memory_space<vmem>>
      %dma_start3A_531 = arith.constant 32768 : i32
      %dma_start3A_532 = tpu.memref_slice %arg4[%dma_start3A_531] : memref<100000xf32, #tpu.memory_space<hbm>> -> memref<32768xf32, #tpu.memory_space<hbm>>
      %dma_start3A_533 = arith.constant 32768 : i32
      %dma_start3A_534 = tpu.memref_slice %arg17[%dma_start3A_533] : memref<100000xf32, #tpu.memory_space<vmem>> -> memref<32768xf32, #tpu.memory_space<vmem>>
      %dma_start3A_535 = arith.constant 32768 : i32
      %dma_start3A_536 = tpu.memref_slice %arg4[%dma_start3A_535] : memref<100000xf32, #tpu.memory_space<hbm>> -> memref<32768xf32, #tpu.memory_space<hbm>>
      tpu.enqueue_dma source(%dma_start3A_536 : memref<32768xf32, #tpu.memory_space<hbm>>) target(%dma_start3A_534 : memref<32768xf32, #tpu.memory_space<vmem>>) target_semaphore(%arg19 : memref<!tpu.dma_semaphore, #tpu.memory_space<semaphore_mem>>)
      %dma_start3A_537 = arith.constant 65536 : i32
      %dma_start3A_538 = tpu.memref_slice %arg17[%dma_start3A_537] : memref<100000xf32, #tpu.memory_space<vmem>> -> memref<32768xf32, #tpu.memory_space<vmem>>
      %dma_start3A_539 = arith.constant 65536 : i32
      %dma_start3A_540 = tpu.memref_slice %arg4[%dma_start3A_539] : memref<100000xf32, #tpu.memory_space<hbm>> -> memref<32768xf32, #tpu.memory_space<hbm>>
      %dma_start3A_541 = arith.constant 65536 : i32
      %dma_start3A_542 = tpu.memref_slice %arg17[%dma_start3A_541] : memref<100000xf32, #tpu.memory_space<vmem>> -> memref<32768xf32, #tpu.memory_space<vmem>>
      %dma_start3A_543 = arith.constant 65536 : i32
      %dma_start3A_544 = tpu.memref_slice %arg4[%dma_start3A_543] : memref<100000xf32, #tpu.memory_space<hbm>> -> memref<32768xf32, #tpu.memory_space<hbm>>
      tpu.enqueue_dma source(%dma_start3A_544 : memref<32768xf32, #tpu.memory_space<hbm>>) target(%dma_start3A_542 : memref<32768xf32, #tpu.memory_space<vmem>>) target_semaphore(%arg19 : memref<!tpu.dma_semaphore, #tpu.memory_space<semaphore_mem>>)
      %dma_start3A_545 = arith.constant 98304 : i32
      %dma_start3A_546 = tpu.memref_slice %arg17[%dma_start3A_545] : memref<100000xf32, #tpu.memory_space<vmem>> -> memref<1696xf32, #tpu.memory_space<vmem>>
      %dma_start3A_547 = arith.constant 98304 : i32
      %dma_start3A_548 = tpu.memref_slice %arg4[%dma_start3A_547] : memref<100000xf32, #tpu.memory_space<hbm>> -> memref<1696xf32, #tpu.memory_space<hbm>>
      %dma_start3A_549 = arith.constant 98304 : i32
      %dma_start3A_550 = tpu.memref_slice %arg17[%dma_start3A_549] : memref<100000xf32, #tpu.memory_space<vmem>> -> memref<1696xf32, #tpu.memory_space<vmem>>
      %dma_start3A_551 = arith.constant 98304 : i32
      %dma_start3A_552 = tpu.memref_slice %arg4[%dma_start3A_551] : memref<100000xf32, #tpu.memory_space<hbm>> -> memref<1696xf32, #tpu.memory_space<hbm>>
      tpu.enqueue_dma source(%dma_start3A_552 : memref<1696xf32, #tpu.memory_space<hbm>>) target(%dma_start3A_550 : memref<1696xf32, #tpu.memory_space<vmem>>) target_semaphore(%arg19 : memref<!tpu.dma_semaphore, #tpu.memory_space<semaphore_mem>>)
      %dma_wait3A_553 = arith.constant 0 : i32
      %dma_wait3A_554 = tpu.memref_slice %arg17[%dma_wait3A_553] : memref<100000xf32, #tpu.memory_space<vmem>> -> memref<32768xf32, #tpu.memory_space<vmem>>
      %dma_wait3A_555 = arith.constant 0 : i32
      %dma_wait3A_556 = tpu.memref_slice %arg4[%dma_wait3A_555] : memref<100000xf32, #tpu.memory_space<hbm>> -> memref<32768xf32, #tpu.memory_space<hbm>>
      %dma_wait3A_557 = arith.constant 0 : i32
      %dma_wait3A_558 = tpu.memref_slice %arg17[%dma_wait3A_557] : memref<100000xf32, #tpu.memory_space<vmem>> -> memref<32768xf32, #tpu.memory_space<vmem>>
      %dma_wait3A_559 = arith.constant 0 : i32
      %dma_wait3A_560 = tpu.memref_slice %arg4[%dma_wait3A_559] : memref<100000xf32, #tpu.memory_space<hbm>> -> memref<32768xf32, #tpu.memory_space<hbm>>
      tpu.wait_dma2 semaphore(%arg19 : memref<!tpu.dma_semaphore, #tpu.memory_space<semaphore_mem>>) src(%dma_wait3A_560 : memref<32768xf32, #tpu.memory_space<hbm>>) dst(%dma_wait3A_558 : memref<32768xf32, #tpu.memory_space<vmem>>)
      %dma_wait3A_561 = arith.constant 32768 : i32
      %dma_wait3A_562 = tpu.memref_slice %arg17[%dma_wait3A_561] : memref<100000xf32, #tpu.memory_space<vmem>> -> memref<32768xf32, #tpu.memory_space<vmem>>
      %dma_wait3A_563 = arith.constant 32768 : i32
      %dma_wait3A_564 = tpu.memref_slice %arg4[%dma_wait3A_563] : memref<100000xf32, #tpu.memory_space<hbm>> -> memref<32768xf32, #tpu.memory_space<hbm>>
      %dma_wait3A_565 = arith.constant 32768 : i32
      %dma_wait3A_566 = tpu.memref_slice %arg17[%dma_wait3A_565] : memref<100000xf32, #tpu.memory_space<vmem>> -> memref<32768xf32, #tpu.memory_space<vmem>>
      %dma_wait3A_567 = arith.constant 32768 : i32
      %dma_wait3A_568 = tpu.memref_slice %arg4[%dma_wait3A_567] : memref<100000xf32, #tpu.memory_space<hbm>> -> memref<32768xf32, #tpu.memory_space<hbm>>
      tpu.wait_dma2 semaphore(%arg19 : memref<!tpu.dma_semaphore, #tpu.memory_space<semaphore_mem>>) src(%dma_wait3A_568 : memref<32768xf32, #tpu.memory_space<hbm>>) dst(%dma_wait3A_566 : memref<32768xf32, #tpu.memory_space<vmem>>)
      %dma_wait3A_569 = arith.constant 65536 : i32
      %dma_wait3A_570 = tpu.memref_slice %arg17[%dma_wait3A_569] : memref<100000xf32, #tpu.memory_space<vmem>> -> memref<32768xf32, #tpu.memory_space<vmem>>
      %dma_wait3A_571 = arith.constant 65536 : i32
      %dma_wait3A_572 = tpu.memref_slice %arg4[%dma_wait3A_571] : memref<100000xf32, #tpu.memory_space<hbm>> -> memref<32768xf32, #tpu.memory_space<hbm>>
      %dma_wait3A_573 = arith.constant 65536 : i32
      %dma_wait3A_574 = tpu.memref_slice %arg17[%dma_wait3A_573] : memref<100000xf32, #tpu.memory_space<vmem>> -> memref<32768xf32, #tpu.memory_space<vmem>>
      %dma_wait3A_575 = arith.constant 65536 : i32
      %dma_wait3A_576 = tpu.memref_slice %arg4[%dma_wait3A_575] : memref<100000xf32, #tpu.memory_space<hbm>> -> memref<32768xf32, #tpu.memory_space<hbm>>
      tpu.wait_dma2 semaphore(%arg19 : memref<!tpu.dma_semaphore, #tpu.memory_space<semaphore_mem>>) src(%dma_wait3A_576 : memref<32768xf32, #tpu.memory_space<hbm>>) dst(%dma_wait3A_574 : memref<32768xf32, #tpu.memory_space<vmem>>)
      %dma_wait3A_577 = arith.constant 98304 : i32
      %dma_wait3A_578 = tpu.memref_slice %arg17[%dma_wait3A_577] : memref<100000xf32, #tpu.memory_space<vmem>> -> memref<1696xf32, #tpu.memory_space<vmem>>
      %dma_wait3A_579 = arith.constant 98304 : i32
      %dma_wait3A_580 = tpu.memref_slice %arg4[%dma_wait3A_579] : memref<100000xf32, #tpu.memory_space<hbm>> -> memref<1696xf32, #tpu.memory_space<hbm>>
      %dma_wait3A_581 = arith.constant 98304 : i32
      %dma_wait3A_582 = tpu.memref_slice %arg17[%dma_wait3A_581] : memref<100000xf32, #tpu.memory_space<vmem>> -> memref<1696xf32, #tpu.memory_space<vmem>>
      %dma_wait3A_583 = arith.constant 98304 : i32
      %dma_wait3A_584 = tpu.memref_slice %arg4[%dma_wait3A_583] : memref<100000xf32, #tpu.memory_space<hbm>> -> memref<1696xf32, #tpu.memory_space<hbm>>
      tpu.wait_dma2 semaphore(%arg19 : memref<!tpu.dma_semaphore, #tpu.memory_space<semaphore_mem>>) src(%dma_wait3A_584 : memref<1696xf32, #tpu.memory_space<hbm>>) dst(%dma_wait3A_582 : memref<1696xf32, #tpu.memory_space<vmem>>)
      %sub3A = arith.constant 24 : i32
      %sub3A_585 = arith.subi %add3A, %sub3A : i32
      %mul3A_586 = arith.constant 512 : i32
      %mul3A_587 = arith.muli %sub3A_585, %mul3A_586 : i32
      %scan3A_588 = arith.constant 0 : i32
      %scan3A_589 = arith.constant 0 : i32
      %scan3A_590 = arith.constant 32 : i32
      %scan3A_591 = arith.addi %scan3A_589, %scan3A_590 : i32
      %scan3A_592 = arith.constant 1 : i32
      %scan3A_593 = scf.for %scan3A_595 = %scan3A_589 to %scan3A_591 step %scan3A_592 iter_args(%scan3A_596 = %scan3A_588) -> (i32)  : i32 {
        %mul3A_597 = arith.constant 16 : i32
        %mul3A_598 = arith.muli %scan3A_595, %mul3A_597 : i32
        %add3A_599 = arith.addi %mul3A_587, %mul3A_598 : i32
        %get3A = arith.index_cast %add3A_599 : i32 to index
        %get3A_600 = tpu.vector_load %arg16[%get3A] {strides = array<i32>} : memref<4096xi32, #tpu.memory_space<vmem>>, vector<16xi32>,
        %gather3A = tpu.vector_load_idx %arg17[%get3A_600] : memref<100000xf32, #tpu.memory_space<vmem>>[vector<16xi32>], vector<16xf32>,
        %mul3A_601 = arith.constant 16 : i32
        %mul3A_602 = arith.muli %scan3A_595, %mul3A_601 : i32
        %swap3A = arith.index_cast %mul3A_602 : i32 to index
        %swap3A_603 = tpu.vector_load %arg18[%swap3A] {strides = array<i32>} : memref<4096xf32, #tpu.memory_space<vmem>>, vector<16xf32>,
        tpu.vector_store %arg18[%swap3A], %gather3A {strides = array<i32>} : memref<4096xf32, #tpu.memory_space<vmem>>, vector<16xf32>,
        %scan3A_604 = arith.constant 0 : i32
        scf.yield %scan3A_604 : i32
      }
      %scan3A_594 = arith.constant 32 : i32
      "tpu.region"() ({
        %run_scoped3A = tpu.sem_alloc : memref<!tpu.dma_semaphore, #tpu.memory_space<semaphore_mem>>
        %dma_start3A_595 = arith.constant 0 : i32
        %dma_start3A_596 = tpu.memref_slice %arg18[%dma_start3A_595] : memref<4096xf32, #tpu.memory_space<vmem>> -> memref<512xf32, #tpu.memory_space<vmem>>
        %dma_start3A_597 = tpu.memref_slice %arg14[%mul3A_587] : memref<4096xf32, #tpu.memory_space<hbm>> -> memref<512xf32, #tpu.memory_space<hbm>>
        %dma_start3A_598 = tpu.memref_slice %arg14[%mul3A_587] : memref<4096xf32, #tpu.memory_space<hbm>> -> memref<512xf32, #tpu.memory_space<hbm>>
        %dma_start3A_599 = arith.constant 0 : i32
        %dma_start3A_600 = tpu.memref_slice %arg18[%dma_start3A_599] : memref<4096xf32, #tpu.memory_space<vmem>> -> memref<512xf32, #tpu.memory_space<vmem>>
        tpu.enqueue_dma source(%dma_start3A_600 : memref<512xf32, #tpu.memory_space<vmem>>) target(%dma_start3A_598 : memref<512xf32, #tpu.memory_space<hbm>>) target_semaphore(%run_scoped3A : memref<!tpu.dma_semaphore, #tpu.memory_space<semaphore_mem>>)
        %dma_wait3A_601 = arith.constant 0 : i32
        %dma_wait3A_602 = tpu.memref_slice %arg18[%dma_wait3A_601] : memref<4096xf32, #tpu.memory_space<vmem>> -> memref<512xf32, #tpu.memory_space<vmem>>
        %dma_wait3A_603 = tpu.memref_slice %arg14[%mul3A_587] : memref<4096xf32, #tpu.memory_space<hbm>> -> memref<512xf32, #tpu.memory_space<hbm>>
        %dma_wait3A_604 = tpu.memref_slice %arg14[%mul3A_587] : memref<4096xf32, #tpu.memory_space<hbm>> -> memref<512xf32, #tpu.memory_space<hbm>>
        %dma_wait3A_605 = arith.constant 0 : i32
        %dma_wait3A_606 = tpu.memref_slice %arg18[%dma_wait3A_605] : memref<4096xf32, #tpu.memory_space<vmem>> -> memref<512xf32, #tpu.memory_space<vmem>>
        tpu.wait_dma2 semaphore(%run_scoped3A : memref<!tpu.dma_semaphore, #tpu.memory_space<semaphore_mem>>) src(%dma_wait3A_606 : memref<512xf32, #tpu.memory_space<vmem>>) dst(%dma_wait3A_604 : memref<512xf32, #tpu.memory_space<hbm>>)
        tpu.yield
      }) : () -> ()
    } else {
    }
    return
  }
}

module attributes {stable_mosaic.version = 14 : i64} {
  func.func @body(%arg0: i32, %arg1: memref<1024x2048xf32, #tpu.memory_space<vmem>>, %arg2: memref<2048x64xf32, #tpu.memory_space<vmem>>, %arg3: memref<1024x64xf32, #tpu.memory_space<vmem>>, %arg4: memref<1024x2048xf32, #tpu.memory_space<vmem>>) attributes {dimension_semantics = [#tpu.dimension_semantics<arbitrary>], iteration_bounds = array<i64: 4>, scalar_prefetch = 0 : i64, scratch_operands = 0 : i64, tpu.core_type = #tpu.core_type<tc>, window_params = [{transform_indices = @transform_0, window_bounds = array<i64: 1024, 2048>}, {pipeline_mode = #tpu.pipeline_mode<synchronous>, transform_indices = @transform_1, window_bounds = array<i64: 2048, 64>}, {transform_indices = @transform_2, window_bounds = array<i64: 1024, 64>}, {transform_indices = @transform_3, window_bounds = array<i64: 1024, 2048>}]} {
    %get3A = arith.constant 0 : index
    %get3A_0 = arith.constant 0 : index
    %get3A_1 = vector.load %arg1[%get3A, %get3A_0] : memref<1024x2048xf32, #tpu.memory_space<vmem>>, vector<1024x2048xf32>
    %get3A_2 = arith.constant 0 : index
    %get3A_3 = arith.constant 0 : index
    %get3A_4 = vector.load %arg2[%get3A_2, %get3A_3] : memref<2048x64xf32, #tpu.memory_space<vmem>>, vector<2048x64xf32>
    %dot_general3A = arith.constant dense<0.000000e+00> : vector<1024x64xf32>
    %dot_general3A_5 = tpu.matmul %get3A_1, %get3A_4, %dot_general3A {dimension_numbers = #tpu.dot_dimension_numbers<[1], [0], [0], [1], [0, 0, 1, 1], [], []>, transpose_lhs_hint = false} : vector<1024x2048xf32>, vector<2048x64xf32>, vector<1024x64xf32> -> vector<1024x64xf32>
    %swap3A = arith.constant 0 : index
    %swap3A_6 = arith.constant 0 : index
    %swap3A_7 = vector.load %arg3[%swap3A, %swap3A_6] : memref<1024x64xf32, #tpu.memory_space<vmem>>, vector<1024x64xf32>
    tpu.vector_store %arg3[%swap3A, %swap3A_6], %dot_general3A_5 {strides = array<i32>} : memref<1024x64xf32, #tpu.memory_space<vmem>>, vector<1024x64xf32>,
    %get3A_8 = arith.constant 0 : index
    %get3A_9 = arith.constant 0 : index
    %get3A_10 = vector.load %arg1[%get3A_8, %get3A_9] : memref<1024x2048xf32, #tpu.memory_space<vmem>>, vector<1024x2048xf32>
    %swap3A_11 = arith.constant 0 : index
    %swap3A_12 = arith.constant 0 : index
    %swap3A_13 = vector.load %arg4[%swap3A_11, %swap3A_12] : memref<1024x2048xf32, #tpu.memory_space<vmem>>, vector<1024x2048xf32>
    tpu.vector_store %arg4[%swap3A_11, %swap3A_12], %get3A_10 {strides = array<i32>} : memref<1024x2048xf32, #tpu.memory_space<vmem>>, vector<1024x2048xf32>,
    return
  }
  func.func @transform_0(%arg0: i32) -> (i32, i32) {
    %c0_i32 = arith.constant 0 : i32
    %c0_i32_0 = arith.constant 0 : i32
    return %arg0, %c0_i32 : i32, i32
  }
  func.func @transform_1(%arg0: i32) -> (i32, i32) {
    %c0_i32 = arith.constant 0 : i32
    %c0_i32_0 = arith.constant 0 : i32
    %c0_i32_1 = arith.constant 0 : i32
    return %c0_i32, %c0_i32_0 : i32, i32
  }
  func.func @transform_2(%arg0: i32) -> (i32, i32) {
    %c0_i32 = arith.constant 0 : i32
    %c0_i32_0 = arith.constant 0 : i32
    return %arg0, %c0_i32 : i32, i32
  }
  func.func @transform_3(%arg0: i32) -> (i32, i32) {
    %c0_i32 = arith.constant 0 : i32
    %c0_i32_0 = arith.constant 0 : i32
    return %arg0, %c0_i32 : i32, i32
  }
}

module attributes {stable_mosaic.version = 14 : i64} {
  func.func @body(%arg0: i32, %arg1: memref<1024x64xf32, #tpu.memory_space<vmem>>, %arg2: memref<64x1024xf32, #tpu.memory_space<vmem>>, %arg3: memref<64x1024xf32, #tpu.memory_space<vmem>>, %arg4: memref<32x1024xf32, #tpu.memory_space<vmem>>, %arg5: memref<1024xf32, #tpu.memory_space<vmem>>, %arg6: memref<1024xf32, #tpu.memory_space<vmem>>) attributes {dimension_semantics = [#tpu.dimension_semantics<arbitrary>], iteration_bounds = array<i64: 4>, scalar_prefetch = 0 : i64, scratch_operands = 0 : i64, tpu.core_type = #tpu.core_type<tc>, window_params = [{transform_indices = @transform_0, window_bounds = array<i64: 1024, 64>}, {transform_indices = @transform_1, window_bounds = array<i64: 64, 1024>}, {transform_indices = @transform_2, window_bounds = array<i64: 64, 1024>}, {transform_indices = @transform_3, window_bounds = array<i64: 32, 1024>}, {transform_indices = @transform_4, window_bounds = array<i64: 1024>}, {transform_indices = @transform_5, window_bounds = array<i64: 1024>}]} {
    %get3A = arith.constant 0 : index
    %get3A_0 = arith.constant 0 : index
    %get3A_1 = vector.load %arg4[%get3A, %get3A_0] : memref<32x1024xf32, #tpu.memory_space<vmem>>, vector<32x1024xf32>
    %transpose3A = tpu.transpose %get3A_1, [1, 0] : vector<32x1024xf32> -> vector<1024x32xf32>
    %get3A_2 = arith.constant 0 : index
    %get3A_3 = arith.constant 0 : index
    %get3A_4 = vector.load %arg1[%get3A_2, %get3A_3] : memref<1024x64xf32, #tpu.memory_space<vmem>>, vector<1024x64xf32>
    %get3A_5 = arith.constant 0 : index
    %get3A_6 = vector.load %arg5[%get3A_5] : memref<1024xf32, #tpu.memory_space<vmem>>, vector<1024xf32>
    %get3A_7 = arith.constant 0 : index
    %get3A_8 = arith.constant 0 : index
    %get3A_9 = vector.load %arg2[%get3A_7, %get3A_8] : memref<64x1024xf32, #tpu.memory_space<vmem>>, vector<64x1024xf32>
    %get3A_10 = arith.constant 0 : index
    %get3A_11 = arith.constant 0 : index
    %get3A_12 = vector.load %arg3[%get3A_10, %get3A_11] : memref<64x1024xf32, #tpu.memory_space<vmem>>, vector<64x1024xf32>
    %mul3A = arith.mulf %get3A_9, %get3A_12 : vector<64x1024xf32>
    %reduce_sum3A = arith.constant dense<0.000000e+00> : vector<1024xf32>
    %reduce_sum3A_13 = vector.multi_reduction <add>, %mul3A, %reduce_sum3A [0] : vector<64x1024xf32> to vector<1024xf32>
    %add3A = arith.addf %get3A_6, %reduce_sum3A_13 : vector<1024xf32>
    %slice3A = vector.extract_strided_slice %get3A_4 {offsets = [0, 0], sizes = [1024, 32], strides = [1, 1]} : vector<1024x64xf32> to vector<1024x32xf32>
    %mul3A_14 = arith.mulf %transpose3A, %slice3A : vector<1024x32xf32>
    %reduce_sum3A_15 = arith.constant dense<0.000000e+00> : vector<1024xf32>
    %reduce_sum3A_16 = vector.multi_reduction <add>, %mul3A_14, %reduce_sum3A_15 [1] : vector<1024x32xf32> to vector<1024xf32>
    %add3A_17 = arith.addf %add3A, %reduce_sum3A_16 : vector<1024xf32>
    %slice3A_18 = vector.extract_strided_slice %get3A_4 {offsets = [0, 32], sizes = [1024, 1], strides = [1, 1]} : vector<1024x64xf32> to vector<1024x1xf32>
    %squeeze3A = vector.shape_cast %slice3A_18 : vector<1024x1xf32> to vector<1024xf32>
    %add3A_19 = arith.addf %add3A_17, %squeeze3A : vector<1024xf32>
    %swap3A = arith.constant 0 : index
    %swap3A_20 = vector.load %arg6[%swap3A] : memref<1024xf32, #tpu.memory_space<vmem>>, vector<1024xf32>
    tpu.vector_store %arg6[%swap3A], %add3A_19 {strides = array<i32>} : memref<1024xf32, #tpu.memory_space<vmem>>, vector<1024xf32>,
    return
  }
  func.func @transform_0(%arg0: i32) -> (i32, i32) {
    %c0_i32 = arith.constant 0 : i32
    %c0_i32_0 = arith.constant 0 : i32
    return %arg0, %c0_i32 : i32, i32
  }
  func.func @transform_1(%arg0: i32) -> (i32, i32) {
    %c0_i32 = arith.constant 0 : i32
    %c0_i32_0 = arith.constant 0 : i32
    return %c0_i32, %arg0 : i32, i32
  }
  func.func @transform_2(%arg0: i32) -> (i32, i32) {
    %c0_i32 = arith.constant 0 : i32
    %c0_i32_0 = arith.constant 0 : i32
    return %c0_i32, %arg0 : i32, i32
  }
  func.func @transform_3(%arg0: i32) -> (i32, i32) {
    %c0_i32 = arith.constant 0 : i32
    %c0_i32_0 = arith.constant 0 : i32
    return %c0_i32, %arg0 : i32, i32
  }
  func.func @transform_4(%arg0: i32) -> i32 {
    %c0_i32 = arith.constant 0 : i32
    return %arg0 : i32
  }
  func.func @transform_5(%arg0: i32) -> i32 {
    %c0_i32 = arith.constant 0 : i32
    return %arg0 : i32
  }
}

</mosaic_0001>

<sc_bundles>
// kernel: kernel.5.cloned.1.call-start
scs
__scs_entry_jumppad:
0x0: {  	(pc) =	sbr.rel $0x88, $3  }
0x1: {  	(tag) =	ssettag $0x0;
	lr =	simm.s32 $0x1  }
0x2: {  	[smem:$0x3F98] =	sst lr;
	_ =	strace $0xD0000000  }
0x3: {  	_ = 	snop  }
0x4: {  	_ = 	snop  }
0x5: {  	_ = 	snop  }
0x6: {  	_ = 	snop  }
0x7: {  	_ = 	snop  }
__scs_overlays_trampoline_lowered:
0x8: {  	[smem:$0x3FA7] =	sst s0  }
0x9: {  	[smem:$0x3FA8] =	sst s1  }
0xa: {  	[smem:$0x3FA9] =	sst s2  }
0xb: {  	[smem:$0x3FAA] =	sst s3  }
0xc: {  	[smem:$0x3FAB] =	sst s4  }
0xd: {  	[smem:$0x3FAC] =	sst s5  }
0xe: {  	[smem:$0x3FAD] =	sst s6  }
0xf: {  	[smem:$0x3FAE] =	sst s7  }
0x10: {  	[smem:$0x3FAF] =	sst s8  }
0x11: {  	[smem:$0x3FB0] =	sst s9;
	s0 =	simm.s32 @!p0 $0x0  }
0x12: {  	s1 =	sld [smem:$0x3F96];
	s0 =	simm.s32 @p0 $0x1  }
0x13: {  	[smem:$0x3FB1] =	sst s0;
	s0 =	simm.s32 @!p1 $0x0  }
0x14: {  	s2 =	sld [smem:$0x3F95];
	s0 =	simm.s32 @p1 $0x1  }
0x15: {  	[smem:$0x3FB2] =	sst s0;
	s0 =	simm.s32 @!p2 $0x0  }
0x16: {  	s3 =	sld [smem:$0x3FDB];
	s0 =	simm.s32 @p2 $0x1  }
0x17: {  	s4 =	simm.s32 $0x1BF5;
	[smem:$0x3FB4] =	sst s0  }
0x18: {  	s0 =	sld [smem:$0x3F97];
	_ =	swait.ge [sflag:s4], $0x0  }
0x19: {  	s7 =	sld [smem:$0x3F98]  }
0x1a: {  	s8 =	sadd.s32 $0xFFFFE003, lr  }
0x1b: {  	s9 =	sadd.s32 $0xFFFFFEF7, lr;
	s5 =	simm.s32 $0xFFFFFFFF;
	p2 =	slt.u32 s8, $0xFFFFF086  }
0x1c: {  	p1 =	slt.u32 s9, $0xF7A;
	s5 =	simm.s32 @!p2 $0x0  }
0x1d: {  	s5 =	simm.s32 @p1 $0x1;
	p0 =	seq.s32 s7, s2  }
0x1e: {  	s7 =	smul.u32 @!p0 $0xF7A, s2;
	p2 =	seq.s32 @!p0 s5, $0x0  }
0x1f: {  	s9 =	smul.u32 $0xF7A, s1;
	s8 =	simm.s32 @!p0 $0x1BF5;
	p2 =	por !p2, p0  }
0x20: {  	[sflag:s8] =	ssyncset.s32 @!p0 $0xFFFFF086;
	s6 =	sadd.s32 @!p0 s3, s7;
	s7 =	simm.s32 @!p0 $0x108  }
0x21: {  	s3 =	sadd.s32 s3, s9;
	s6 =	sadd.s32 @!p0 $0x88, s6;
	s7 =	simm.s32 @p2 $0x1082  }
0x22: {  	[simem:s7], [sflag:s8] =	dma.local @!p0 [hbm:s6], $0xF7A  }
0x23: {  	s9 =	sor.u32 $0xD0000000, s2;
	s6 =	simm.s32 $0x108;
	_ =	swait.ge @!p0 [sflag:s8], $0x0  }
0x24: {  	s3 =	sadd.s32 $0x88, s3;
	s6 =	simm.s32 @!p1 $0x1082;
	[sflag:s4] =	ssyncset.s32 $0xFFFFF086  }
0x25: {  	[simem:s6], [sflag:s4] =	dma.local [hbm:s3], $0xF7A  }
0x26: {  	[smem:$0x3F98] =	sst s1;
	(tag) =	ssettag s2;
	_ =	strace s9  }
0x27: {  	s1 =	sld [smem:$0x3FA8]  }
0x28: {  	s2 =	sld [smem:$0x3FA9]  }
0x29: {  	s4 =	sld [smem:$0x3FAB]  }
0x2a: {  	p0 =	seq.s32 s5, $0x0;
	s5 =	sld [smem:$0x3FAC]  }
0x2b: {  	s6 =	sld [smem:$0x3FAD]  }
0x2c: {  	s7 =	sld [smem:$0x3FAE]  }
0x2d: {  	s3 =	simm.s32 $0x108;
	s8 =	sld [smem:$0x3FAF]  }
0x2e: {  	s3 =	simm.s32 @!p0 $0x1082;
	s9 =	sld [smem:$0x3FB0]  }
0x2f: {  	lr =	sadd.s32 s0, s3;
	s0 =	sld [smem:$0x3FA7]  }
0x30: {  	s3 =	sld [smem:$0x3FAA]  }
0x31: {  	[smem:$0x3FB3] =	sst s10  }
0x32: {  	s10 =	sld [smem:$0x3FB1];
	_ =	sdelay $0x3  }
0x33: {  	p0 =	seq.s32 s10, $0x1;
	s10 =	sld [smem:$0x3FB3];
	_ =	sdelay $0x3  }
0x34: {  	[smem:$0x3FB3] =	sst s10  }
0x35: {  	s10 =	sld [smem:$0x3FB2];
	_ =	sdelay $0x3  }
0x36: {  	p1 =	seq.s32 s10, $0x1;
	s10 =	sld [smem:$0x3FB3];
	_ =	sdelay $0x3  }
0x37: {  	[smem:$0x3FB3] =	sst s10  }
0x38: {  	s10 =	sld [smem:$0x3FB4]  }
0x39: {  	_ = 	snop;
	(pc) =	sbr.ind lr, $3  }
0x3a: {  	_ = 	snop  }
0x3b: {  	_ = 	snop  }
0x3c: {  	p2 =	seq.s32 s10, $0x1;
	s10 =	sld [smem:$0x3FB3]  }
0x3d: {  	_ =	shalt  }
0x3e: {  	_ =	shalt  }
0x3f: {  	_ =	shalt  }
0x40: {  	_ =	shalt  }
0x41: {  	_ =	shalt  }
0x42: {  	_ =	shalt  }
0x43: {  	_ =	shalt  }
0x44: {  	_ =	shalt  }
0x45: {  	_ =	shalt  }
0x46: {  	_ =	shalt  }
0x47: {  	_ =	shalt  }
0x48: {  	_ =	shalt  }
0x49: {  	_ =	shalt  }
0x4a: {  	_ =	shalt  }
0x4b: {  	_ =	shalt  }
0x4c: {  	_ =	shalt  }
0x4d: {  	_ =	shalt  }
0x4e: {  	_ =	shalt  }
0x4f: {  	_ =	shalt  }
0x50: {  	_ =	shalt  }
0x51: {  	_ =	shalt  }
0x52: {  	_ =	shalt  }
0x53: {  	_ =	shalt  }
0x54: {  	_ =	shalt  }
0x55: {  	_ =	shalt  }
0x56: {  	_ =	shalt  }
0x57: {  	_ =	shalt  }
0x58: {  	_ =	shalt  }
0x59: {  	_ =	shalt  }
0x5a: {  	_ =	shalt  }
0x5b: {  	_ =	shalt  }
0x5c: {  	_ =	shalt  }
0x5d: {  	_ =	shalt  }
0x5e: {  	_ =	shalt  }
0x5f: {  	_ =	shalt  }
0x60: {  	_ =	shalt  }
0x61: {  	_ =	shalt  }
0x62: {  	_ =	shalt  }
0x63: {  	_ =	shalt  }
0x64: {  	_ =	shalt  }
0x65: {  	_ =	shalt  }
0x66: {  	_ =	shalt  }
0x67: {  	_ =	shalt  }
0x68: {  	_ =	shalt  }
0x69: {  	_ =	shalt  }
0x6a: {  	_ =	shalt  }
0x6b: {  	_ =	shalt  }
0x6c: {  	_ =	shalt  }
0x6d: {  	_ =	shalt  }
0x6e: {  	_ =	shalt  }
0x6f: {  	_ =	shalt  }
0x70: {  	_ =	shalt  }
0x71: {  	_ =	shalt  }
0x72: {  	_ =	shalt  }
0x73: {  	_ =	shalt  }
0x74: {  	_ =	shalt  }
0x75: {  	_ =	shalt  }
0x76: {  	_ =	shalt  }
0x77: {  	_ =	shalt  }
0x78: {  	_ =	shalt  }
0x79: {  	_ =	shalt  }
0x7a: {  	_ =	shalt  }
0x7b: {  	_ =	shalt  }
0x7c: {  	_ =	shalt  }
0x7d: {  	_ =	shalt  }
0x7e: {  	_ =	shalt  }
0x7f: {  	_ =	shalt  }
0x80: {  	_ =	shalt  }
0x81: {  	_ =	shalt  }
0x82: {  	_ =	shalt  }
0x83: {  	_ =	shalt  }
0x84: {  	_ =	shalt  }
0x85: {  	_ =	shalt  }
0x86: {  	_ =	shalt  }
0x87: {  	_ =	shalt  }
.Lfunc_end0:
.L_simem_size_0:
called_computation_lowered:
.L_overlay_start_0:
0x88: {  	s2 =	sld [smem:$0x3FD9]  }
0x89: {  	s3 =	sld [smem:$0x3FFE];
	_ =	sdelay $0x1  }
0x8a: {  	s1 =	srdreg.scid  }
0x8b: {  	s0 =	sand.u32 $0x1, s1  }
0x8c: {  	s28 =	sshll.u32 s0, $0xA;
	s2 =	sadd.s32 s3, s2  }
0x8d: {  	s2 =	sadd.s32 s2, s28  }
0x8e: {  	[smem:$0x3FBF] =	sst s2  }
0x8f: {  	_ = 	snop  }
0x90: {  	s2 =	sld [smem:$0x3FC9]  }
0x91: {  	s29 =	sld [smem:$0x3FC8]  }
0x92: {  	s4 =	sld [smem:$0x3FC6]  }
0x93: {  	s5 =	sld [smem:$0x3FD0]  }
0x94: {  	s6 =	sld [smem:$0x3FC5]  }
0x95: {  	s7 =	sld [smem:$0x3FC4]  }
0x96: {  	s9 =	simm.s32 $0xA;
	s10 =	simm.s32 $0x10;
	s8 =	sld [smem:$0x3FC2]  }
0x97: {  	[smem:s10], [sflag:s9] =	dma.local [hbm:s5], $0x1  }
0x98: {  	_ =	swait.eq [sflag:s9], $0x1  }
0x99: {  	s30 =	sld [smem:$0x10]  }
0x9a: {  	s31 =	sld [smem:$0x11]  }
0x9b: {  	s11 =	sld [smem:$0x12];
	[sflag:s9] =	ssyncset.done $0x0  }
0x9c: {  	s12 =	sld [smem:$0x14];
	[sflag:s9] =	ssyncadd.s32 $0xFFFFFFFF  }
0x9d: {  	s18 =	sld [smem:$0x15];
	(tm) =	ssettm $0x1  }
0x9e: {  	s13 =	sld [smem:$0x3FFB];
	_ =	sdelay $0x3  }
0x9f: {  	_ =	strace s13  }
0xa0: {  	s13 =	sld [smem:$0x3FFC];
	_ =	sdelay $0x3  }
0xa1: {  	_ =	strace s13  }
0xa2: {  	s13 =	sld [smem:$0x3FFD];
	_ =	sdelay $0x3  }
0xa3: {  	_ =	strace s13  }
0xa4: {  	_ =	strace $0x8FFFFFFF  }
0xa5: {  	s19 =	sld [smem:$0x3FDB];
	_ =	sdelay $0x1  }
0xa6: {  	s14 =	simm.s32 $_scs_section_size  }
0xa7: {  	s15 =	simm.s32 $_size__tile_overlayer_lowered;
	s16 =	simm.s32 $_tile_overlayer_lowered  }
0xa8: {  	s22 =	simm.s32 $0x1BFF;
	s21 =	sshll.u32 s16, $0x1;
	s13 =	sadd.s32 s14, s19  }
0xa9: {  	s17 =	simm.s32 $0x0;
	s20 =	sshll.u32 s15, $0x1;
	s15 =	sadd.s32 s21, s13  }
0xaa: {  	[timem:s17], [sflag:s22] =	dma.local [hbm:s15], s20  }
0xab: {  	_ =	swait.ge [sflag:s22], s20  }
0xac: {  	s14 =	ssub.s32 $0x0, s20;
	[sflag:s22] =	ssyncset.done $0x0  }
0xad: {  	[sflag:s22] =	ssyncadd.s32 s14;
	_ =	sdelay $0x1  }
0xae: {  	s23 =	simm.s32 $0x1B8B  }
0xaf: {  	_ =	swait.ge [sflag:s23], $0x1  }
0xb0: {  	[sflag:s23] =	ssyncset.done $0x0  }
0xb1: {  	s25 =	simm.s32 $0x1B8E;
	s24 =	sld [smem:$0x3FFE];
	[sflag:s23] =	ssyncadd.s32 $0xFFFFFFFF  }
0xb2: {  	s26 =	simm.s32 $execute0_lowered;
	[smem:$0x3FD2] =	sst s25  }
0xb3: {  	s15 =	sshll.u32 s26, $0x1;
	_ =	strace $0x80000046;
	[dreg:$0x1] =	wrdreg $0xFFFFFFFF  }
0xb4: {  	s28 =	simm.s32 $_size_execute0_lowered;
	s13 =	sadd.s32 s13, s15;
	[dreg:$0x0] =	wrdreg $0x0  }
0xb5: {  	s15 =	sshll.u32 s28, $0x1;
	[dreg:$0x2] =	wrdreg s13  }
0xb6: {  	[dreg:$0x3] =	wrdreg s15  }
0xb7: {  	[dreg:$0x4] =	wrdreg $0xC0  }
0xb8: {  	_ =	task [dreg:s17], $0x5FFFF  }
0xb9: {  	[dreg:$0x1] =	wrdreg $0xFFFFFFFF  }
0xba: {  	[dreg:$0x0] =	wrdreg $0x60  }
0xbb: {  	[dreg:$0x2] =	wrdreg s2  }
0xbc: {  	[dreg:$0x3] =	wrdreg s29  }
0xbd: {  	[dreg:$0x4] =	wrdreg s4  }
0xbe: {  	[dreg:$0x5] =	wrdreg s6  }
0xbf: {  	[dreg:$0x6] =	wrdreg s7  }
0xc0: {  	[dreg:$0x7] =	wrdreg s8  }
0xc1: {  	[dreg:$0x8] =	wrdreg s30  }
0xc2: {  	[dreg:$0x9] =	wrdreg s24  }
0xc3: {  	[dreg:$0xa] =	wrdreg s31  }
0xc4: {  	[dreg:$0xb] =	wrdreg s11  }
0xc5: {  	[dreg:$0xc] =	wrdreg s12  }
0xc6: {  	[dreg:$0xd] =	wrdreg s18  }
0xc7: {  	[dreg:$0xe] =	wrdreg $0x9  }
0xc8: {  	_ =	task.clear_ibuf [dreg:s17], $0xFFFFF;
	_ =	strace $0x90000046  }
0xc9: {  	s29 =	simm.s32 $0x9;
	_ =	strace $0x80000048  }
0xca: {  	_ =	swait.ge [sflag:s29], $0x1  }
0xcb: {  	[sflag:s29] =	ssyncadd.s32 $0xFFFFFFFF  }
0xcc: {  	_ =	strace $0x90000048  }
0xcd: {  	_ =	sfence  }
0xce: {  	s30 =	sld [smem:$0x0];
	_ =	sdelay $0x2  }
0xcf: {  	s31 =	sshll.u32 s1, $0xD;
	s1 =	sshrl.u32 s1, $0x2  }
0xd0: {  	s3 =	sand.u32 $0x4000, s31;
	s1 =	sadd.s32 s1, s30  }
0xd1: {  	s0 =	sor.u32 s3, s0;
	s1 =	sshll.u32 s1, $0x11  }
0xd2: {  	s0 =	sor.u32 s1, s0  }
0xd3: {  	s0 =	sadd.s32 $0x8F2B, s0  }
0xd4: {  	[sflag:s0] =	ssyncadd.remote.s32 $0x1  }
0xd5: {  	_ =	sfence.sel $0xFFFF  }
0xd6: {  	[dreg:$0x0] =	wrdreg $0xFFFFFFFF;
	(pc) =	sbr.abs _section_cstart, $3  }
0xd7: {  	[dreg:$0x1] =	wrdreg $0xFFFFFFFF  }
0xd8: {  	_ =	task.clear_ibuf [dreg:s17], $0x2FFFF;
	_ =	strace $0x9FFFFFFF  }
0xd9: {  	(tm) =	ssettm $0x7FFFFFFF  }
tec
execute0_lowered:
.L_overlay_start_1:
0x0: {  	(tag) =	ssettag $0x1  }
0x1: {  	s0 =	rddreg [dreg:$0x3]  }
0x2: {  	s4 =	rddreg [dreg:$0x4];
	s1 =	srdreg.scid  }
0x3: {  	s2 =	stileid.u32;
	s6 =	rddreg [dreg:$0x6]  }
0x4: {  	s3 =	sand.u32 $0x1, s1;
	s23 =	sshll.u32 s2, $0x1;
	s5 =	sshrl.u32 s2, $0x1  }
0x5: {  	s8 =	rddreg [dreg:$0x7];
	s2 =	sor.u32 s3, s23;
	s7 =	smul.u32 $0xC3800, s5  }
0x6: {  	s3 =	ssub.s32 $0x2, s3;
	s5 =	sshll.u32 s5, $0xF;
	s1 =	sshll.u32 s2, $0x2  }
0x7: {  	s9 =	sshll.u32 s2, $0x8;
	s13 =	sshrl.u32 s3, $0x1;
	s15 =	sshllo.u32 s2, $0x1  }
0x8: {  	s1 =	sadd.s32 s1, s8;
	s9 =	sand.u32 $0x300, s9;
	s10 =	sadd.s32 $0x40000, s7  }
0x9: {  	s3 =	ssub.s32 s3, s13;
	s26 =	sadd.s32 $0x80000, s7;
	s14 =	sadd.s32 $0xC0000, s7  }
0xa: {  	s18 =	sshll.u32 s15, $0x7;
	s11 =	sor.u32 s7, s9;
	s12 =	sor.u32 s10, s9  }
0xb: {  	s16 =	sor.u32 s26, s9;
	s17 =	sor.u32 s14, s9;
	s18 =	sand.u32 $0x380, s18  }
0xc: {  	s9 =	sor.u32 s5, s9;
	s31 =	sadd.s32 $0x1800, s1;
	s11 =	sshrl.u32 s11, $0x3  }
0xd: {  	s12 =	sshrl.u32 s12, $0x3;
	s16 =	sshrl.u32 s16, $0x3;
	s17 =	sshrl.u32 s17, $0x3  }
0xe: {  	s7 =	sor.u32 s7, s18;
	s10 =	sor.u32 s10, s18;
	s13 =	sor.u32 s26, s18  }
0xf: {  	s14 =	sor.u32 s14, s18;
	s5 =	sor.u32 s5, s18;
	s24 =	sadd.s32 s0, s11  }
0x10: {  	s19 =	sadd.s32 s0, s16;
	s26 =	sadd.s32 s4, s16;
	s16 =	rddreg [dreg:$0x8]  }
0x11: {  	s25 =	sadd.s32 s0, s12;
	s20 =	sadd.s32 s0, s17;
	[dreg:$0xd] =	wrdreg s24  }
0x12: {  	s7 =	sshrl.u32 s7, $0x3;
	s10 =	sshrl.u32 s10, $0x3;
	[dreg:$0xe] =	wrdreg s25  }
0x13: {  	s13 =	sshrl.u32 s13, $0x3;
	s14 =	sshrl.u32 s14, $0x3;
	[dreg:$0xf] =	wrdreg s19  }
0x14: {  	s17 =	sadd.s32 s4, s17;
	[dreg:$0x10] =	wrdreg s20;
	s21 =	sadd.s32 s0, s7  }
0x15: {  	s22 =	sadd.s32 s0, s10;
	s23 =	sadd.s32 s0, s13;
	s0 =	sadd.s32 s0, s14  }
0x16: {  	s24 =	sadd.s32 s4, s11;
	s25 =	sadd.s32 s4, s12;
	[dreg:$0x17] =	wrdreg s26  }
0x17: {  	s18 =	sadd.s32 s4, s7;
	s19 =	sadd.s32 s4, s10;
	[dreg:$0x11] =	wrdreg s21  }
0x18: {  	s20 =	sadd.s32 s4, s13;
	s11 =	sshll.u32 s2, $0x3;
	[dreg:$0x12] =	wrdreg s22  }
0x19: {  	s12 =	sshll.u32 s15, $0x2;
	s13 =	sadd.s32 $0x1600, s8;
	[dreg:$0x13] =	wrdreg s23  }
0x1a: {  	s15 =	sshrl.u32 s5, $0x3;
	s10 =	sshll.u32 s2, $0x7;
	[dreg:$0x14] =	wrdreg s0  }
0x1b: {  	s2 =	sshll.u32 s2, $0x9;
	s7 =	simm.s32 $0xA000;
	[dreg:$0x15] =	wrdreg s24  }
0x1c: {  	[dreg:$0x16] =	wrdreg s25;
	s21 =	sadd.s32 s4, s14;
	s22 =	sadd.s32 s6, s11  }
0x1d: {  	s23 =	sadd.s32 s6, s12;
	s25 =	sadd.s32 s13, s11;
	s26 =	sadd.s32 s13, s12  }
0x1e: {  	s14 =	sshrl.u32 s9, $0x3;
	s9 =	stileid.u32;
	s11 =	rddreg [dreg:$0x9]  }
0x1f: {  	s5 =	sand.u32 $0x380, s10;
	s10 =	rddreg [dreg:$0x2];
	s6 =	sshrl.u32 s9, $0x2  }
0x20: {  	s28 =	sadd.s32 s16, s14;
	s0 =	sadd.s32 s11, s14;
	s14 =	rddreg [dreg:$0x5]  }
0x21: {  	s4 =	sadd.s32 s11, s15;
	s11 =	rddreg [dreg:$0xa];
	s24 =	smul.u32 $0xC3800, s6  }
0x22: {  	s30 =	sadd.s32 s16, s15;
	s1 =	sadd.s32 $0xFFFFE000, s2;
	[dreg:$0x18] =	wrdreg s0  }
0x23: {  	[dreg:$0x19] =	wrdreg s4;
	s12 =	sor.u32 s24, s5;
	s24 =	simm.s32 $0x0  }
0x24: {  	p0 =	slt.u32 s9, $0xC;
	s9 =	simm.s32 $0x1A000;
	[smem:$0x7FF] =	sst s24  }
0x25: {  	s13 =	sadd.s32 $0x40000, s12;
	s15 =	sshrl.u32 s12, $0x3;
	s16 =	sadd.s32 $0x80000, s12  }
0x26: {  	s0 =	sadd.s32 $0xC0000, s12;
	s12 =	rddreg [dreg:$0xb];
	s4 =	sshrl.u32 s13, $0x3  }
0x27: {  	s8 =	sadd.s32 s14, s15;
	s0 =	sshrl.u32 s0, $0x3;
	s13 =	sadd.s32 $0xFFFFD000, s2  }
0x28: {  	s2 =	smax.u32 s3, $0x1;
	s15 =	sadd.s32 $0x1000, s10;
	s3 =	simm.s32 $0x2  }
0x29: {  	[dreg:$0x1a] =	wrdreg s8;
	s4 =	sadd.s32 s14, s4;
	s0 =	sadd.s32 s14, s0  }
0x2a: {  	s8 =	sshll.u32 s6, $0xF;
	[dreg:$0x1b] =	wrdreg s4;
	s4 =	sshrl.u32 s16, $0x3  }
0x2b: {  	s6 =	simm.s32 $0x2000;
	[dreg:$0x1d] =	wrdreg s0;
	s4 =	sadd.s32 s14, s4  }
0x2c: {  	s16 =	sadd.s32 $0x2000, s10;
	[dreg:$0x1c] =	wrdreg s4;
	s4 =	sor.u32 s8, s5  }
0x2d: {  	s0 =	sadd.s32 $0x3000, s10;
	s14 =	sshrl.u32 s13, $0x3;
	s4 =	sshrl.u32 s4, $0x3  }
.Ltmp0:
0x2e: {  	s29 =	sadd.s32 s11, s4;
	s4 =	sadd.s32 s12, s14;
	(pc) =	sbr.rel .LBB2_1-.Ltmp0, $4  }
0x2f: {  	s10 =	simm.s32 $0x1A680;
	s13 =	simm.s32 $0x0;
	[dreg:$0x1e] =	wrdreg s4  }
0x30: {  	s5 =	simm.s32 $0x400;
	_ =	strace $0x80000047;
	[dreg:$0x1f] =	wrdreg s15  }
0x31: {  	s8 =	simm.s32 $0x12000;
	s11 =	simm.s32 $0x1;
	[smem:$0x7FC] =	sst s16  }
0x32: {  	s12 =	simm.s32 $0x1A700;
	s4 =	simm.s32 $0x80;
	[smem:$0x7FD] =	sst s0  }
.LBB2_14:
0x33: {  	s15 =	sand.u32 $0x70, s15;
	s16 =	sadd.s32 s17, s1  }
0x34: {  	[tilespmem:s14+$0x0] =	vst v0;
	s15 =	sadd.s32 s15, s16  }
0x35: {  	v0 =	vld [tilespmem:s15+$0x0];
	_ =	sdelay $0x7  }
0x36: {  	v0 =	vld.idx.msk [tilespmem:v0+s6+$0x0], $0xffff;
	_ =	sdelay $0x3  }
0x37: {  	s16 =	sadd.s32 $0x10, s14  }
0x38: {  	s17 =	rddreg [dreg:$0x1e];
	[tilespmem:s16+$0x0] =	vst v0  }
0x39: {  	[hbm4b:s17+s24] =	stream.linear.scatter [tilespmem:s12], [sflag:$0x2], $0x200, $0x38;
	[tilespmem:$0x1B700] =	vst v63  }
0x3a: {  	s17 =	smov.u32 s18;
	s18 =	smov.u32 s19  }
0x3b: {  	s19 =	smov.u32 s20;
	s20 =	smov.u32 s21;
	s21 =	smov.u32 s22  }
0x3c: {  	s22 =	smov.u32 s23;
	s23 =	smov.u32 s25;
	_ =	swait.ge [sflag:s3], $0x200  }
0x3d: {  	s25 =	smov.u32 s26;
	s26 =	smov.u32 s28;
	[sflag:s3] =	ssyncset.done $0x0  }
0x3e: {  	s28 =	smov.u32 s30;
	s30 =	smov.u32 s0;
	[sflag:s3] =	ssyncadd.s32 $0xFFFFFE00  }
.LBB2_15:
0x3f: {  	s13 =	sadd.s32 $0x1, s13  }
0x40: {  	p1 =	sne.s32 s13, s2  }
.Ltmp1:
0x41: {  	_ = 	snop;
	(pc) =	sbr.rel @!p1 .LBB2_16-.Ltmp1, $1  }
0x42: {  	_ =	sdelay $0x3  }
.LBB2_1:
0x43: {  	s0 =	rddreg [dreg:$0x0]  }
0x44: {  	[tilespmem:s24], [sflag:$0x2] =	stream.linear.gather [hbm4b:s0+s24], $0x1000, $0x38;
	[tilespmem:$0x1B700] =	vst v63  }
0x45: {  	_ =	swait.ge [sflag:s3], $0x1000  }
0x46: {  	[sflag:s3] =	ssyncset.done $0x0  }
0x47: {  	[sflag:s3] =	ssyncadd.s32 $0xFFFFF000  }
0x48: {  	s14 =	simm.s32 $0x1000;
	s15 =	rddreg [dreg:$0x1]  }
0x49: {  	[tilespmem:s14], [sflag:$0x2] =	stream.linear.gather [hbm4b:s15+s24], $0x1000, $0x38;
	[tilespmem:$0x1B700] =	vst v63  }
0x4a: {  	_ =	swait.ge [sflag:s3], $0x1000  }
0x4b: {  	[sflag:s3] =	ssyncset.done $0x0  }
0x4c: {  	s16 =	rddreg [dreg:$0xd];
	[sflag:s3] =	ssyncadd.s32 $0xFFFFF000  }
0x4d: {  	[tilespmem:s6], [sflag:$0x1] =	stream.strided.gather [hbm4b:s16+s4], $0x8000, s5, s4, $0x38;
	[tilespmem:$0x1B700] =	vst v63  }
0x4e: {  	s0 =	rddreg [dreg:$0xe]  }
0x4f: {  	[tilespmem:s7], [sflag:$0x1] =	stream.strided.gather [hbm4b:s0+s4], $0x8000, s5, s4, $0x38;
	[tilespmem:$0x1B700] =	vst v63  }
0x50: {  	s15 =	rddreg [dreg:$0xf]  }
0x51: {  	[tilespmem:s8], [sflag:$0x1] =	stream.strided.gather [hbm4b:s15+s4], $0x8000, s5, s4, $0x38;
	[tilespmem:$0x1B700] =	vst v63  }
0x52: {  	s16 =	rddreg [dreg:$0x10]  }
0x53: {  	[tilespmem:s9], [sflag:$0x1] =	stream.strided.gather [hbm4b:s16+s4], $0x680, s5, s4, $0x38;
	[tilespmem:$0x1B700] =	vst v63  }
0x54: {  	_ = 	snop  }
0x55: {  	[tilespmem:s10], [sflag:$0x1] =	stream.linear.gather [hbm4b:s22+s24], $0x20, $0x38;
	[tilespmem:$0x1B700] =	vst v63  }
0x56: {  	_ =	swait.ge [sflag:s11], $0x8000  }
0x57: {  	[sflag:s11] =	ssyncset.done $0x0  }
0x58: {  	[sflag:s11] =	ssyncadd.s32 $0xFFFF8000  }
0x59: {  	_ =	swait.ge [sflag:s11], $0x8000  }
0x5a: {  	[sflag:s11] =	ssyncset.done $0x0  }
0x5b: {  	[sflag:s11] =	ssyncadd.s32 $0xFFFF8000  }
0x5c: {  	_ =	swait.ge [sflag:s11], $0x8000  }
0x5d: {  	[sflag:s11] =	ssyncset.done $0x0  }
0x5e: {  	[sflag:s11] =	ssyncadd.s32 $0xFFFF8000  }
0x5f: {  	_ =	swait.ge [sflag:s11], $0x680  }
0x60: {  	[sflag:s11] =	ssyncset.done $0x0  }
0x61: {  	[sflag:s11] =	ssyncadd.s32 $0xFFFFF980  }
0x62: {  	_ =	swait.ge [sflag:s11], $0x20  }
0x63: {  	[sflag:s11] =	ssyncset.done $0x0  }
0x64: {  	s14 =	simm.s32 $0x0;
	[sflag:s11] =	ssyncadd.s32 $0xFFFFFFE0  }
0x65: {  	v0 =	vld [tilespmem:s14+$0x0];
	_ =	sdelay $0x7  }
0x66: {  	s15 =	simm.s32 $0x10;
	s16 =	simm.s32 $0x80;
	v0 =	vld.idx.msk [tilespmem:v0+s6+$0x0], $0xffff  }
.LBB2_2:
0x67: {  	p1 =	sne.s32 s16, $0x3FC0;
	v1 =	vld [tilespmem:s15+$0x0];
	_ =	sdelay $0x3  }
.Ltmp2:
0x68: {  	(pc) =	sbr.rel @p1 .LBB2_2-.Ltmp2, $2  }
0x69: {  	[tilespmem:s14+$0x1A700] =	vst v0;
	s14 =	smov.u32 s15;
	_ =	sdelay $0x2  }
0x6a: {  	s15 =	sshra.s32 s16, $0x2;
	s16 =	sadd.s32 $0x40, s16;
	v0 =	vld.idx.msk [tilespmem:v1+s6+$0x0], $0xffff  }
0x6b: {  	v1 =	vld [tilespmem:s15+$0x0];
	_ =	sdelay $0x6  }
0x6c: {  	[tilespmem:s14+$0x1A700] =	vst v0  }
0x6d: {  	v0 =	vld.idx.msk [tilespmem:v1+s6+$0x0], $0xffff;
	_ =	sdelay $0x4  }
0x6e: {  	[tilespmem:s15+$0x1A700] =	vst v0  }
0x6f: {  	[hbm4b:s28+s4] =	stream.strided.scatter [tilespmem:s12], [sflag:$0x2], $0x1000, s5, s4, $0x38;
	[tilespmem:$0x1B700] =	vst v63  }
0x70: {  	_ =	swait.ge [sflag:s3], $0x1000  }
0x71: {  	[sflag:s3] =	ssyncset.done $0x0  }
0x72: {  	s15 =	rddreg [dreg:$0x11];
	[sflag:s3] =	ssyncadd.s32 $0xFFFFF000  }
0x73: {  	[tilespmem:s6], [sflag:$0x1] =	stream.strided.gather [hbm4b:s15+s4], $0x8000, s5, s4, $0x38;
	[tilespmem:$0x1B700] =	vst v63  }
0x74: {  	s16 =	rddreg [dreg:$0x12]  }
0x75: {  	[tilespmem:s7], [sflag:$0x1] =	stream.strided.gather [hbm4b:s16+s4], $0x8000, s5, s4, $0x38;
	[tilespmem:$0x1B700] =	vst v63  }
0x76: {  	s0 =	rddreg [dreg:$0x13]  }
0x77: {  	[tilespmem:s8], [sflag:$0x1] =	stream.strided.gather [hbm4b:s0+s4], $0x8000, s5, s4, $0x38;
	[tilespmem:$0x1B700] =	vst v63  }
0x78: {  	s15 =	rddreg [dreg:$0x14]  }
0x79: {  	[tilespmem:s9], [sflag:$0x1] =	stream.strided.gather [hbm4b:s15+s4], $0x680, s5, s4, $0x38;
	[tilespmem:$0x1B700] =	vst v63  }
0x7a: {  	s16 =	simm.s32 $0x0  }
0x7b: {  	[tilespmem:s10], [sflag:$0x1] =	stream.linear.gather [hbm4b:s23+s16], $0x20, $0x38;
	[tilespmem:$0x1B700] =	vst v63  }
0x7c: {  	_ =	swait.ge [sflag:s11], $0x8000  }
0x7d: {  	[sflag:s11] =	ssyncset.done $0x0  }
0x7e: {  	[sflag:s11] =	ssyncadd.s32 $0xFFFF8000  }
0x7f: {  	_ =	swait.ge [sflag:s11], $0x8000  }
0x80: {  	[sflag:s11] =	ssyncset.done $0x0  }
0x81: {  	[sflag:s11] =	ssyncadd.s32 $0xFFFF8000  }
0x82: {  	_ =	swait.ge [sflag:s11], $0x8000  }
0x83: {  	[sflag:s11] =	ssyncset.done $0x0  }
0x84: {  	[sflag:s11] =	ssyncadd.s32 $0xFFFF8000  }
0x85: {  	_ =	swait.ge [sflag:s11], $0x680  }
0x86: {  	[sflag:s11] =	ssyncset.done $0x0  }
0x87: {  	[sflag:s11] =	ssyncadd.s32 $0xFFFFF980  }
0x88: {  	_ =	swait.ge [sflag:s11], $0x20  }
0x89: {  	[sflag:s11] =	ssyncset.done $0x0  }
0x8a: {  	s14 =	simm.s32 $0x0;
	[sflag:s11] =	ssyncadd.s32 $0xFFFFFFE0  }
0x8b: {  	v0 =	vld [tilespmem:s14+$0x0];
	_ =	sdelay $0x7  }
0x8c: {  	s15 =	simm.s32 $0x10;
	s16 =	simm.s32 $0x80;
	v0 =	vld.idx.msk [tilespmem:v0+s6+$0x0], $0xffff  }
.LBB2_4:
0x8d: {  	p1 =	sne.s32 s16, $0x3FC0;
	v1 =	vld [tilespmem:s15+$0x0];
	_ =	sdelay $0x3  }
.Ltmp3:
0x8e: {  	(pc) =	sbr.rel @p1 .LBB2_4-.Ltmp3, $2  }
0x8f: {  	[tilespmem:s14+$0x1A700] =	vst v0;
	s14 =	smov.u32 s15;
	_ =	sdelay $0x2  }
0x90: {  	s15 =	sshra.s32 s16, $0x2;
	s16 =	sadd.s32 $0x40, s16;
	v0 =	vld.idx.msk [tilespmem:v1+s6+$0x0], $0xffff  }
0x91: {  	v1 =	vld [tilespmem:s15+$0x0];
	_ =	sdelay $0x6  }
0x92: {  	[tilespmem:s14+$0x1A700] =	vst v0  }
0x93: {  	v0 =	vld.idx.msk [tilespmem:v1+s6+$0x0], $0xffff;
	_ =	sdelay $0x4  }
0x94: {  	[tilespmem:s15+$0x1A700] =	vst v0  }
0x95: {  	[hbm4b:s30+s4] =	stream.strided.scatter [tilespmem:s12], [sflag:$0x2], $0x1000, s5, s4, $0x38;
	[tilespmem:$0x1B700] =	vst v63  }
0x96: {  	_ =	swait.ge [sflag:s3], $0x1000  }
0x97: {  	[sflag:s3] =	ssyncset.done $0x0  }
0x98: {  	s16 =	rddreg [dreg:$0x15];
	[sflag:s3] =	ssyncadd.s32 $0xFFFFF000  }
0x99: {  	[tilespmem:s6], [sflag:$0x1] =	stream.strided.gather [hbm4b:s16+s4], $0x8000, s5, s4, $0x38;
	[tilespmem:$0x1B700] =	vst v63  }
0x9a: {  	s0 =	rddreg [dreg:$0x16]  }
0x9b: {  	[tilespmem:s7], [sflag:$0x1] =	stream.strided.gather [hbm4b:s0+s4], $0x8000, s5, s4, $0x38;
	[tilespmem:$0x1B700] =	vst v63  }
0x9c: {  	s15 =	rddreg [dreg:$0x17]  }
0x9d: {  	[tilespmem:s8], [sflag:$0x1] =	stream.strided.gather [hbm4b:s15+s4], $0x8000, s5, s4, $0x38;
	[tilespmem:$0x1B700] =	vst v63  }
0x9e: {  	_ = 	snop  }
0x9f: {  	[tilespmem:s9], [sflag:$0x1] =	stream.strided.gather [hbm4b:s17+s4], $0x680, s5, s4, $0x38;
	[tilespmem:$0x1B700] =	vst v63  }
0xa0: {  	s16 =	simm.s32 $0x0  }
0xa1: {  	[tilespmem:s10], [sflag:$0x1] =	stream.linear.gather [hbm4b:s25+s16], $0x20, $0x38;
	[tilespmem:$0x1B700] =	vst v63  }
0xa2: {  	_ =	swait.ge [sflag:s11], $0x8000  }
0xa3: {  	[sflag:s11] =	ssyncset.done $0x0  }
0xa4: {  	[sflag:s11] =	ssyncadd.s32 $0xFFFF8000  }
0xa5: {  	_ =	swait.ge [sflag:s11], $0x8000  }
0xa6: {  	[sflag:s11] =	ssyncset.done $0x0  }
0xa7: {  	[sflag:s11] =	ssyncadd.s32 $0xFFFF8000  }
0xa8: {  	_ =	swait.ge [sflag:s11], $0x8000  }
0xa9: {  	[sflag:s11] =	ssyncset.done $0x0  }
0xaa: {  	[sflag:s11] =	ssyncadd.s32 $0xFFFF8000  }
0xab: {  	_ =	swait.ge [sflag:s11], $0x680  }
0xac: {  	[sflag:s11] =	ssyncset.done $0x0  }
0xad: {  	[sflag:s11] =	ssyncadd.s32 $0xFFFFF980  }
0xae: {  	_ =	swait.ge [sflag:s11], $0x20  }
0xaf: {  	[sflag:s11] =	ssyncset.done $0x0  }
0xb0: {  	s14 =	simm.s32 $0x0;
	[sflag:s11] =	ssyncadd.s32 $0xFFFFFFE0  }
0xb1: {  	v0 =	vld [tilespmem:s14+$0x1000];
	_ =	sdelay $0x7  }
0xb2: {  	s15 =	simm.s32 $0x10;
	s16 =	simm.s32 $0x80;
	v0 =	vld.idx.msk [tilespmem:v0+s6+$0x0], $0xffff  }
.LBB2_6:
0xb3: {  	p1 =	sne.s32 s16, $0x3FC0;
	v1 =	vld [tilespmem:s15+$0x1000];
	_ =	sdelay $0x3  }
.Ltmp4:
0xb4: {  	(pc) =	sbr.rel @p1 .LBB2_6-.Ltmp4, $2  }
0xb5: {  	[tilespmem:s14+$0x1A700] =	vst v0;
	s14 =	smov.u32 s15;
	_ =	sdelay $0x2  }
0xb6: {  	s15 =	sshra.s32 s16, $0x2;
	s16 =	sadd.s32 $0x40, s16;
	v0 =	vld.idx.msk [tilespmem:v1+s6+$0x0], $0xffff  }
0xb7: {  	v1 =	vld [tilespmem:s15+$0x1000];
	_ =	sdelay $0x6  }
0xb8: {  	[tilespmem:s14+$0x1A700] =	vst v0  }
0xb9: {  	v0 =	vld.idx.msk [tilespmem:v1+s6+$0x0], $0xffff;
	_ =	sdelay $0x4  }
0xba: {  	s0 =	rddreg [dreg:$0x18];
	[tilespmem:s15+$0x1A700] =	vst v0  }
0xbb: {  	[hbm4b:s0+s4] =	stream.strided.scatter [tilespmem:s12], [sflag:$0x2], $0x1000, s5, s4, $0x38;
	[tilespmem:$0x1B700] =	vst v63  }
0xbc: {  	_ =	swait.ge [sflag:s3], $0x1000  }
0xbd: {  	[sflag:s3] =	ssyncset.done $0x0  }
0xbe: {  	[sflag:s3] =	ssyncadd.s32 $0xFFFFF000  }
0xbf: {  	[tilespmem:s6], [sflag:$0x1] =	stream.strided.gather [hbm4b:s18+s4], $0x8000, s5, s4, $0x38;
	[tilespmem:$0x1B700] =	vst v63  }
0xc0: {  	_ = 	snop  }
0xc1: {  	[tilespmem:s7], [sflag:$0x1] =	stream.strided.gather [hbm4b:s19+s4], $0x8000, s5, s4, $0x38;
	[tilespmem:$0x1B700] =	vst v63  }
0xc2: {  	_ = 	snop  }
0xc3: {  	[tilespmem:s8], [sflag:$0x1] =	stream.strided.gather [hbm4b:s20+s4], $0x8000, s5, s4, $0x38;
	[tilespmem:$0x1B700] =	vst v63  }
0xc4: {  	_ = 	snop  }
0xc5: {  	[tilespmem:s9], [sflag:$0x1] =	stream.strided.gather [hbm4b:s21+s4], $0x680, s5, s4, $0x38;
	[tilespmem:$0x1B700] =	vst v63  }
0xc6: {  	s16 =	simm.s32 $0x0  }
0xc7: {  	[tilespmem:s10], [sflag:$0x1] =	stream.linear.gather [hbm4b:s26+s16], $0x20, $0x38;
	[tilespmem:$0x1B700] =	vst v63  }
0xc8: {  	_ =	swait.ge [sflag:s11], $0x8000  }
0xc9: {  	[sflag:s11] =	ssyncset.done $0x0  }
0xca: {  	[sflag:s11] =	ssyncadd.s32 $0xFFFF8000  }
0xcb: {  	_ =	swait.ge [sflag:s11], $0x8000  }
0xcc: {  	[sflag:s11] =	ssyncset.done $0x0  }
0xcd: {  	[sflag:s11] =	ssyncadd.s32 $0xFFFF8000  }
0xce: {  	_ =	swait.ge [sflag:s11], $0x8000  }
0xcf: {  	[sflag:s11] =	ssyncset.done $0x0  }
0xd0: {  	[sflag:s11] =	ssyncadd.s32 $0xFFFF8000  }
0xd1: {  	_ =	swait.ge [sflag:s11], $0x680  }
0xd2: {  	[sflag:s11] =	ssyncset.done $0x0  }
0xd3: {  	[sflag:s11] =	ssyncadd.s32 $0xFFFFF980  }
0xd4: {  	_ =	swait.ge [sflag:s11], $0x20  }
0xd5: {  	[sflag:s11] =	ssyncset.done $0x0  }
0xd6: {  	s14 =	simm.s32 $0x0;
	[sflag:s11] =	ssyncadd.s32 $0xFFFFFFE0  }
0xd7: {  	v0 =	vld [tilespmem:s14+$0x1000];
	_ =	sdelay $0x7  }
0xd8: {  	s15 =	simm.s32 $0x10;
	s16 =	simm.s32 $0x80;
	v0 =	vld.idx.msk [tilespmem:v0+s6+$0x0], $0xffff  }
.LBB2_8:
0xd9: {  	p1 =	sne.s32 s16, $0x3FC0;
	v1 =	vld [tilespmem:s15+$0x1000];
	_ =	sdelay $0x3  }
.Ltmp5:
0xda: {  	(pc) =	sbr.rel @p1 .LBB2_8-.Ltmp5, $2  }
0xdb: {  	[tilespmem:s14+$0x1A700] =	vst v0;
	s14 =	smov.u32 s15;
	_ =	sdelay $0x2  }
0xdc: {  	s15 =	sshra.s32 s16, $0x2;
	s16 =	sadd.s32 $0x40, s16;
	v0 =	vld.idx.msk [tilespmem:v1+s6+$0x0], $0xffff  }
0xdd: {  	v1 =	vld [tilespmem:s15+$0x1000];
	_ =	sdelay $0x6  }
0xde: {  	[tilespmem:s14+$0x1A700] =	vst v0  }
0xdf: {  	v0 =	vld.idx.msk [tilespmem:v1+s6+$0x0], $0xffff;
	_ =	sdelay $0x4  }
0xe0: {  	s0 =	rddreg [dreg:$0x19];
	[tilespmem:s15+$0x1A700] =	vst v0  }
0xe1: {  	[hbm4b:s0+s4] =	stream.strided.scatter [tilespmem:s12], [sflag:$0x2], $0x1000, s5, s4, $0x38;
	[tilespmem:$0x1B700] =	vst v63  }
0xe2: {  	_ =	swait.ge [sflag:s3], $0x1000  }
0xe3: {  	[sflag:s3] =	ssyncset.done $0x0  }
0xe4: {  	s15 =	rddreg [dreg:$0x1a];
	[sflag:s3] =	ssyncadd.s32 $0xFFFFF000  }
0xe5: {  	[tilespmem:s6], [sflag:$0x1] =	stream.strided.gather [hbm4b:s15+s4], $0x8000, s5, s4, $0x38;
	[tilespmem:$0x1B700] =	vst v63  }
0xe6: {  	s16 =	rddreg [dreg:$0x1b]  }
0xe7: {  	[tilespmem:s7], [sflag:$0x1] =	stream.strided.gather [hbm4b:s16+s4], $0x8000, s5, s4, $0x38;
	[tilespmem:$0x1B700] =	vst v63  }
0xe8: {  	s14 =	rddreg [dreg:$0x1c]  }
0xe9: {  	[tilespmem:s8], [sflag:$0x1] =	stream.strided.gather [hbm4b:s14+s4], $0x8000, s5, s4, $0x38;
	[tilespmem:$0x1B700] =	vst v63  }
0xea: {  	s15 =	rddreg [dreg:$0x1d]  }
0xeb: {  	[tilespmem:s9], [sflag:$0x1] =	stream.strided.gather [hbm4b:s15+s4], $0x680, s5, s4, $0x38;
	[tilespmem:$0x1B700] =	vst v63  }
0xec: {  	s16 =	simm.s32 $0x0  }
0xed: {  	[tilespmem:s10], [sflag:$0x1] =	stream.linear.gather [hbm4b:s31+s16], $0x20, $0x38;
	[tilespmem:$0x1B700] =	vst v63  }
0xee: {  	_ =	swait.ge [sflag:s11], $0x8000  }
0xef: {  	[sflag:s11] =	ssyncset.done $0x0  }
0xf0: {  	[sflag:s11] =	ssyncadd.s32 $0xFFFF8000  }
0xf1: {  	_ =	swait.ge [sflag:s11], $0x8000  }
0xf2: {  	[sflag:s11] =	ssyncset.done $0x0  }
0xf3: {  	[sflag:s11] =	ssyncadd.s32 $0xFFFF8000  }
0xf4: {  	_ =	swait.ge [sflag:s11], $0x8000  }
0xf5: {  	[sflag:s11] =	ssyncset.done $0x0  }
0xf6: {  	[sflag:s11] =	ssyncadd.s32 $0xFFFF8000  }
0xf7: {  	_ =	swait.ge [sflag:s11], $0x680  }
0xf8: {  	[sflag:s11] =	ssyncset.done $0x0  }
0xf9: {  	[sflag:s11] =	ssyncadd.s32 $0xFFFFF980  }
0xfa: {  	_ =	swait.ge [sflag:s11], $0x20  }
0xfb: {  	[sflag:s11] =	ssyncset.done $0x0  }
0xfc: {  	s14 =	simm.s32 $0x0;
	[sflag:s11] =	ssyncadd.s32 $0xFFFFFFE0  }
0xfd: {  	v0 =	vld [tilespmem:s14+$0x0];
	_ =	sdelay $0x7  }
0xfe: {  	s15 =	simm.s32 $0x10;
	s16 =	simm.s32 $0x80;
	v0 =	vld.idx.msk [tilespmem:v0+s6+$0x0], $0xffff  }
.LBB2_10:
0xff: {  	p1 =	sne.s32 s16, $0x3FC0;
	v1 =	vld [tilespmem:s15+$0x0];
	_ =	sdelay $0x3  }
.Ltmp6:
0x100: {  	(pc) =	sbr.rel @p1 .LBB2_10-.Ltmp6, $2  }
0x101: {  	[tilespmem:s14+$0x1A700] =	vst v0;
	s14 =	smov.u32 s15;
	_ =	sdelay $0x2  }
0x102: {  	s15 =	sshra.s32 s16, $0x2;
	s16 =	sadd.s32 $0x40, s16;
	v0 =	vld.idx.msk [tilespmem:v1+s6+$0x0], $0xffff  }
0x103: {  	v1 =	vld [tilespmem:s15+$0x0];
	_ =	sdelay $0x6  }
0x104: {  	[tilespmem:s14+$0x1A700] =	vst v0  }
0x105: {  	v0 =	vld.idx.msk [tilespmem:v1+s6+$0x0], $0xffff;
	_ =	sdelay $0x4  }
.Ltmp7:
0x106: {  	[tilespmem:s15+$0x1A700] =	vst v0;
	(pc) =	sbr.rel @p0 .LBB2_15-.Ltmp7, $4  }
0x107: {  	[hbm4b:s29+s4] =	stream.strided.scatter [tilespmem:s12], [sflag:$0x2], $0x1000, s5, s4, $0x38;
	[tilespmem:$0x1B700] =	vst v63  }
0x108: {  	_ =	swait.ge [sflag:s3], $0x1000  }
0x109: {  	[sflag:s3] =	ssyncset.done $0x0  }
0x10a: {  	[sflag:s3] =	ssyncadd.s32 $0xFFFFF000  }
0x10b: {  	s0 =	smov.u32 s30;
	s30 =	smov.u32 s28;
	s28 =	smov.u32 s26  }
0x10c: {  	s26 =	smov.u32 s25;
	s25 =	smov.u32 s23;
	s23 =	smov.u32 s22  }
0x10d: {  	s22 =	smov.u32 s21;
	s21 =	smov.u32 s20;
	s15 =	rddreg [dreg:$0x2]  }
0x10e: {  	s20 =	smov.u32 s19;
	s14 =	simm.s32 $0x0;
	s16 =	rddreg [dreg:$0x1f]  }
0x10f: {  	[tilespmem:s6], [sflag:$0x1] =	stream.linear.gather [hbm4b:s15+s14], $0x8000, $0x38;
	[tilespmem:$0x1B700] =	vst v63  }
0x110: {  	s19 =	smov.u32 s18;
	s18 =	smov.u32 s17;
	s17 =	sld [smem:$0x7FC]  }
0x111: {  	[tilespmem:s7], [sflag:$0x1] =	stream.linear.gather [hbm4b:s16+s14], $0x8000, $0x38;
	[tilespmem:$0x1B700] =	vst v63  }
0x112: {  	s16 =	sld [smem:$0x7FD]  }
0x113: {  	[tilespmem:s8], [sflag:$0x1] =	stream.linear.gather [hbm4b:s17+s14], $0x8000, $0x38;
	[tilespmem:$0x1B700] =	vst v63  }
0x114: {  	_ = 	snop  }
0x115: {  	[tilespmem:s9], [sflag:$0x1] =	stream.linear.gather [hbm4b:s16+s14], $0x6A0, $0x38;
	[tilespmem:$0x1B700] =	vst v63  }
0x116: {  	_ =	swait.ge [sflag:s11], $0x8000  }
0x117: {  	[sflag:s11] =	ssyncset.done $0x0  }
0x118: {  	[sflag:s11] =	ssyncadd.s32 $0xFFFF8000  }
0x119: {  	_ =	swait.ge [sflag:s11], $0x8000  }
0x11a: {  	[sflag:s11] =	ssyncset.done $0x0  }
0x11b: {  	[sflag:s11] =	ssyncadd.s32 $0xFFFF8000  }
0x11c: {  	_ =	swait.ge [sflag:s11], $0x8000  }
0x11d: {  	[sflag:s11] =	ssyncset.done $0x0  }
0x11e: {  	[sflag:s11] =	ssyncadd.s32 $0xFFFF8000  }
0x11f: {  	s17 =	sand.u32 $0x180, s14;
	_ =	swait.ge [sflag:s11], $0x6A0  }
0x120: {  	s15 =	sadd.s32 s17, s1;
	s14 =	sand.u32 $0x70, s14;
	[sflag:s11] =	ssyncset.done $0x0  }
0x121: {  	s14 =	sadd.s32 s14, s15;
	[sflag:s11] =	ssyncadd.s32 $0xFFFFF960  }
0x122: {  	v0 =	vld [tilespmem:s14+$0x0];
	_ =	sdelay $0x7  }
0x123: {  	v0 =	vld.idx.msk [tilespmem:v0+s6+$0x0], $0xffff;
	_ =	sdelay $0x1  }
0x124: {  	s15 =	simm.s32 $0x10  }
0x125: {  	s16 =	simm.s32 $0x20;
	s17 =	sand.u32 $0x180, s15;
	s14 =	simm.s32 $0x1A700  }
.LBB2_13:
0x126: {  	p1 =	sne.s32 s16, $0x1F0;
	s15 =	sand.u32 $0x70, s15;
	s17 =	sadd.s32 s17, s1  }
0x127: {  	s17 =	sadd.s32 s15, s17;
	[tilespmem:s14+$0x0] =	vst v0;
	s15 =	smov.u32 s16  }
0x128: {  	v0 =	vld [tilespmem:s17+$0x0];
	_ =	sdelay $0x7  }
.Ltmp8:
0x129: {  	v0 =	vld.idx.msk [tilespmem:v0+s6+$0x0], $0xffff;
	(pc) =	sbr.rel @p1 .LBB2_13-.Ltmp8, $2  }
0x12a: {  	_ =	sdelay $0x2  }
0x12b: {  	s16 =	sadd.s32 $0x10, s16;
	s14 =	sadd.s32 $0x10, s14;
	s17 =	sand.u32 $0x180, s15  }
.Ltmp9:
0x12c: {  	_ = 	snop;
	(pc) =	sbr.rel .LBB2_14-.Ltmp9, $1  }
0x12d: {  	_ =	sdelay $0x3  }
.LBB2_16:
0x12e: {  	_ =	sfence.sel $0x180000  }
0x12f: {  	[bflag:$0x0] =	sbarrier.arrive $0xFFFF  }
0x130: {  	_ =	strace $0x90000047  }
0x131: {  	s0 =	stileid.u32;
	[bflag:$0x2] =	sbarrier.arrive $0xFFFF  }
0x132: {  	p0 =	sne.s32 s0, $0x0;
	s0 =	rddreg [dreg:$0xc]  }
0x133: {  	s0 =	sadd.s32 @!p0 $0x100000, s0  }
0x134: {  	[sflag:s0] =	ssyncadd.tile.s32 @!p0 $0x1;
	_ =	shalt  }
.Lfunc_end2:
_tile_overlayer_lowered:
.L_overlay_start_2:
0x135: {  	(tag) =	ssettag $0x2  }
0x136: {  	s0 =	rddreg [dreg:$0x0];
	s2 =	stileid.u32  }
0x137: {  	s1 =	rddreg [dreg:$0x1];
	p0 =	sne.s32 s2, $0x0  }
0x138: {  	s3 =	rddreg [dreg:$0x2];
	[bflag:$0x3] =	sbarrier.arrive $0xFFFF;
	s2 =	simm.s32 @!p0 $0x1C02  }
0x139: {  	[timem:s3], [sflag:s2] =	dma.local @!p0 [hbm:s0], s1  }
0x13a: {  	s0 =	simm.s32 @!p0 $0x2  }
0x13b: {  	_ =	swait.ge @!p0 [sflag:s0], s1  }
0x13c: {  	s1 =	ssub.s32 @!p0 $0x0, s1;
	[sflag:s0] =	ssyncset.done @!p0 $0x0  }
0x13d: {  	[sflag:s0] =	ssyncadd.s32 @!p0 s1  }
0x13e: {  	[bflag:$0x3] =	sbarrier.arrive $0xFFFF  }
0x13f: {  	_ =	shalt  }

</sc_bundles>
